<compile_context>
chip_gen: v7x
topology: tpu7x:2x2x1
jax: 0.10.2.dev20260603
libtpu: 0.0.44.dev20260713+nightly
codegen_flags: <defaults>
</compile_context>

<pallas_src>
import functools

import jax
import jax.numpy as jnp
from jax import lax
from jax.experimental import pallas as pl
from jax.experimental.pallas import tpu as pltpu
from jax.experimental.pallas import tpu_sc as plsc

VOCAB = 1000000
EMBED_DIM = 64
BATCH = 4096
HIST = 200

_TOTAL = BATCH * HIST
_NW = 32
_PER_W = _TOTAL // _NW
_CHUNK = 320
_NCHUNK = _PER_W // _CHUNK

_mesh = plsc.VectorSubcoreMesh(core_axis_name="c", subcore_axis_name="s")


@functools.partial(
    pl.kernel,
    mesh=_mesh,
    out_type=jax.ShapeDtypeStruct((_TOTAL, EMBED_DIM), jnp.float32),
    scratch_types=[
        pltpu.VMEM((_PER_W,), jnp.int32),
        [pltpu.VMEM((_CHUNK, EMBED_DIM), jnp.float32) for _ in range(2)],
        [pltpu.SemaphoreType.DMA for _ in range(2)],
        [pltpu.SemaphoreType.DMA for _ in range(2)],
    ],
    compiler_params=pltpu.CompilerParams(use_tc_tiling_on_sc=True),
)
def _gather_kernel(idx_hbm, table_hbm, out_hbm, idx_v, rows, gsem, wsem):
    wid = lax.axis_index("s") * 2 + lax.axis_index("c")
    base = wid * _PER_W

    pltpu.sync_copy(idx_hbm.at[pl.ds(base, _PER_W)], idx_v)

    def fire_chunk(g, b):
        def grp(j, _):
            v16 = idx_v[pl.ds(g * _CHUNK + j * 16, 16)]
            for t in range(16):
                pltpu.make_async_copy(
                    table_hbm.at[pl.ds(v16[t], 1)],
                    rows[b].at[pl.ds(j * 16 + t, 1)],
                    gsem[b],
                ).start()
            return 0

        lax.fori_loop(0, _CHUNK // 16, grp, 0)

    def drain_chunk(b):
        pltpu.make_async_copy(
            table_hbm.at[pl.ds(0, _CHUNK)], rows[b], gsem[b]
        ).wait()

    def write_chunk(g, b):
        return pltpu.make_async_copy(
            rows[b], out_hbm.at[pl.ds(base + g * _CHUNK, _CHUNK)], wsem[b]
        )

    fire_chunk(0, 0)

    def body(i, _):
        for k in range(2):
            g = 2 * i + k
            b = k
            @pl.when(g + 1 < _NCHUNK)
            def _():
                @pl.when(g >= 1)
                def _():
                    write_chunk(g, 1 - b).wait()
                fire_chunk(g + 1, 1 - b)

            drain_chunk(b)
            write_chunk(g, b).start()

        return 0

    lax.fori_loop(0, _NCHUNK // 2, body, 0)

    write_chunk(0, 0).wait()
    write_chunk(0, 1).wait()


def kernel(idx_texts, table):
    flat_idx = idx_texts.reshape(_TOTAL).astype(jnp.int32)
    out = _gather_kernel(flat_idx, table)
    return out.reshape(BATCH, HIST, EMBED_DIM)

# --- scband reference (transcript-rebuilt; emitter-appended) ---
"""Pipeline reference for scband-word-embedding-52725018526078 (READ-ONLY COPY).

The authoritative reference and input builder live on the scoring server;
editing this copy changes nothing except your own understanding.
"""

import jax, jax.numpy as jnp
import numpy as np

VOCAB = 1000000
EMBED_DIM = 64
BATCH = 4096
HIST = 200

def setup_inputs(seed: int = 0) -> dict:
    key = jax.random.key(seed)
    k_idx, k_tab = jax.random.split(key)
    idx_texts = jax.random.randint(k_idx, (BATCH, HIST), 0, VOCAB, dtype=jnp.int64 if jax.config.jax_enable_x64 else jnp.int32)
    table = jax.random.normal(k_tab, (VOCAB, EMBED_DIM), dtype=jnp.float32)
    return {"idx_texts": idx_texts, "table": table}

def reference(idx_texts, table):
    # nn.Embedding lookup: gather rows of the embedding table
    return jnp.take(table, idx_texts, axis=0)

if __name__ == "__main__":
    import jax
    _d = setup_inputs()
    print(jax.jit(kernel)(*tuple(_d.values())))

</pallas_src>

<mosaic_0001>
#map = affine_map<(d0, d1) -> (0)>
#map1 = affine_map<(d0, d1) -> (0, 0)>
module attributes {stable_mosaic.version = 14 : i64} {
  func.func @_gather_kernel(%arg0: i32, %arg1: i32, %arg2: memref<819200xi32, #tpu.memory_space<hbm>>, %arg3: memref<1000000x64xf32, #tpu.memory_space<hbm>>, %arg4: memref<819200x64xf32, #tpu.memory_space<hbm>>, %arg5: memref<25600xi32, #tpu.memory_space<vmem>>, %arg6: memref<320x64xf32, #tpu.memory_space<vmem>>, %arg7: memref<320x64xf32, #tpu.memory_space<vmem>>, %arg8: memref<!tpu.dma_semaphore, #tpu.memory_space<semaphore_mem>>, %arg9: memref<!tpu.dma_semaphore, #tpu.memory_space<semaphore_mem>>, %arg10: memref<!tpu.dma_semaphore, #tpu.memory_space<semaphore_mem>>, %arg11: memref<!tpu.dma_semaphore, #tpu.memory_space<semaphore_mem>>) attributes {dimension_semantics = [#tpu.dimension_semantics<core_parallel>, #tpu.dimension_semantics<subcore_parallel>], iteration_bounds = array<i64: 2, 16>, scalar_prefetch = 0 : i64, scratch_operands = 7 : i64, tpu.core_type = #tpu.core_type<sc_vector_subcore>, window_params = [{transform_indices = #map}, {transform_indices = #map1}, {transform_indices = #map1}]} {
    %mul3A = arith.constant 2 : i32
    %mul3A_0 = arith.muli %arg1, %mul3A : i32
    %add3A = arith.addi %mul3A_0, %arg0 : i32
    %mul3A_1 = arith.constant 25600 : i32
    %mul3A_2 = arith.muli %add3A, %mul3A_1 : i32
    "tpu.region"() ({
      %run_scoped3A = tpu.sem_alloc : memref<!tpu.dma_semaphore, #tpu.memory_space<semaphore_mem>>
      %dma_start3A = tpu.memref_slice %arg2[%mul3A_2] : memref<819200xi32, #tpu.memory_space<hbm>> -> memref<25600xi32, #tpu.memory_space<hbm>>
      %dma_start3A_27 = tpu.memref_slice %arg2[%mul3A_2] : memref<819200xi32, #tpu.memory_space<hbm>> -> memref<25600xi32, #tpu.memory_space<hbm>>
      tpu.enqueue_dma source(%dma_start3A_27 : memref<25600xi32, #tpu.memory_space<hbm>>) target(%arg5 : memref<25600xi32, #tpu.memory_space<vmem>>) target_semaphore(%run_scoped3A : memref<!tpu.dma_semaphore, #tpu.memory_space<semaphore_mem>>)
      %dma_wait3A_28 = tpu.memref_slice %arg2[%mul3A_2] : memref<819200xi32, #tpu.memory_space<hbm>> -> memref<25600xi32, #tpu.memory_space<hbm>>
      %dma_wait3A_29 = tpu.memref_slice %arg2[%mul3A_2] : memref<819200xi32, #tpu.memory_space<hbm>> -> memref<25600xi32, #tpu.memory_space<hbm>>
      tpu.wait_dma2 semaphore(%run_scoped3A : memref<!tpu.dma_semaphore, #tpu.memory_space<semaphore_mem>>) src(%dma_wait3A_29 : memref<25600xi32, #tpu.memory_space<hbm>>) dst(%arg5 : memref<25600xi32, #tpu.memory_space<vmem>>)
      tpu.yield
    }) : () -> ()
    %scan3A = arith.constant 0 : i32
    %scan3A_3 = arith.constant 0 : i32
    %scan3A_4 = arith.constant 20 : i32
    %scan3A_5 = arith.addi %scan3A_3, %scan3A_4 : i32
    %scan3A_6 = arith.constant 1 : i32
    %scan3A_7 = scf.for %scan3A_27 = %scan3A_3 to %scan3A_5 step %scan3A_6 iter_args(%scan3A_28 = %scan3A) -> (i32)  : i32 {
      %mul3A_29 = arith.constant 16 : i32
      %mul3A_30 = arith.muli %scan3A_27, %mul3A_29 : i32
      %add3A_31 = arith.constant 0 : i32
      %add3A_32 = arith.addi %add3A_31, %mul3A_30 : i32
      %get3A = arith.index_cast %add3A_32 : i32 to index
      %get3A_33 = tpu.vector_load %arg5[%get3A] {strides = array<i32>} : memref<25600xi32, #tpu.memory_space<vmem>>, vector<16xi32>,
      %get3A_34 = vector.shape_cast %get3A_33 : vector<16xi32> to vector<16xi32>
      %slice3A = vector.extract_strided_slice %get3A_34 {offsets = [0], sizes = [1], strides = [1]} : vector<16xi32> to vector<1xi32>
      %squeeze3A = vector.extract %slice3A[0] : i32 from vector<1xi32>
      %mul3A_35 = arith.constant 16 : i32
      %mul3A_36 = arith.muli %scan3A_27, %mul3A_35 : i32
      %add3A_37 = arith.constant 0 : i32
      %add3A_38 = arith.addi %mul3A_36, %add3A_37 : i32
      %dma_start3A = arith.constant 0 : i32
      %dma_start3A_39 = tpu.memref_slice %arg6[%add3A_38, %dma_start3A] : memref<320x64xf32, #tpu.memory_space<vmem>> -> memref<1x64xf32, #tpu.memory_space<vmem>>
      %dma_start3A_40 = arith.constant 0 : i32
      %dma_start3A_41 = tpu.memref_slice %arg3[%squeeze3A, %dma_start3A_40] : memref<1000000x64xf32, #tpu.memory_space<hbm>> -> memref<1x64xf32, #tpu.memory_space<hbm>>
      %dma_start3A_42 = arith.constant 0 : i32
      %dma_start3A_43 = tpu.memref_slice %arg6[%add3A_38, %dma_start3A_42] : memref<320x64xf32, #tpu.memory_space<vmem>> -> memref<1x64xf32, #tpu.memory_space<vmem>>
      %dma_start3A_44 = arith.constant 0 : i32
      %dma_start3A_45 = tpu.memref_slice %arg3[%squeeze3A, %dma_start3A_44] : memref<1000000x64xf32, #tpu.memory_space<hbm>> -> memref<1x64xf32, #tpu.memory_space<hbm>>
      tpu.enqueue_dma source(%dma_start3A_45 : memref<1x64xf32, #tpu.memory_space<hbm>>) target(%dma_start3A_43 : memref<1x64xf32, #tpu.memory_space<vmem>>) target_semaphore(%arg8 : memref<!tpu.dma_semaphore, #tpu.memory_space<semaphore_mem>>)
      %slice3A_46 = vector.extract_strided_slice %get3A_34 {offsets = [1], sizes = [1], strides = [1]} : vector<16xi32> to vector<1xi32>
      %squeeze3A_47 = vector.extract %slice3A_46[0] : i32 from vector<1xi32>
      %mul3A_48 = arith.constant 16 : i32
      %mul3A_49 = arith.muli %scan3A_27, %mul3A_48 : i32
      %add3A_50 = arith.constant 1 : i32
      %add3A_51 = arith.addi %mul3A_49, %add3A_50 : i32
      %dma_start3A_52 = arith.constant 0 : i32
      %dma_start3A_53 = tpu.memref_slice %arg6[%add3A_51, %dma_start3A_52] : memref<320x64xf32, #tpu.memory_space<vmem>> -> memref<1x64xf32, #tpu.memory_space<vmem>>
      %dma_start3A_54 = arith.constant 0 : i32
      %dma_start3A_55 = tpu.memref_slice %arg3[%squeeze3A_47, %dma_start3A_54] : memref<1000000x64xf32, #tpu.memory_space<hbm>> -> memref<1x64xf32, #tpu.memory_space<hbm>>
      %dma_start3A_56 = arith.constant 0 : i32
      %dma_start3A_57 = tpu.memref_slice %arg6[%add3A_51, %dma_start3A_56] : memref<320x64xf32, #tpu.memory_space<vmem>> -> memref<1x64xf32, #tpu.memory_space<vmem>>
      %dma_start3A_58 = arith.constant 0 : i32
      %dma_start3A_59 = tpu.memref_slice %arg3[%squeeze3A_47, %dma_start3A_58] : memref<1000000x64xf32, #tpu.memory_space<hbm>> -> memref<1x64xf32, #tpu.memory_space<hbm>>
      tpu.enqueue_dma source(%dma_start3A_59 : memref<1x64xf32, #tpu.memory_space<hbm>>) target(%dma_start3A_57 : memref<1x64xf32, #tpu.memory_space<vmem>>) target_semaphore(%arg8 : memref<!tpu.dma_semaphore, #tpu.memory_space<semaphore_mem>>)
      %slice3A_60 = vector.extract_strided_slice %get3A_34 {offsets = [2], sizes = [1], strides = [1]} : vector<16xi32> to vector<1xi32>
      %squeeze3A_61 = vector.extract %slice3A_60[0] : i32 from vector<1xi32>
      %mul3A_62 = arith.constant 16 : i32
      %mul3A_63 = arith.muli %scan3A_27, %mul3A_62 : i32
      %add3A_64 = arith.constant 2 : i32
      %add3A_65 = arith.addi %mul3A_63, %add3A_64 : i32
      %dma_start3A_66 = arith.constant 0 : i32
      %dma_start3A_67 = tpu.memref_slice %arg6[%add3A_65, %dma_start3A_66] : memref<320x64xf32, #tpu.memory_space<vmem>> -> memref<1x64xf32, #tpu.memory_space<vmem>>
      %dma_start3A_68 = arith.constant 0 : i32
      %dma_start3A_69 = tpu.memref_slice %arg3[%squeeze3A_61, %dma_start3A_68] : memref<1000000x64xf32, #tpu.memory_space<hbm>> -> memref<1x64xf32, #tpu.memory_space<hbm>>
      %dma_start3A_70 = arith.constant 0 : i32
      %dma_start3A_71 = tpu.memref_slice %arg6[%add3A_65, %dma_start3A_70] : memref<320x64xf32, #tpu.memory_space<vmem>> -> memref<1x64xf32, #tpu.memory_space<vmem>>
      %dma_start3A_72 = arith.constant 0 : i32
      %dma_start3A_73 = tpu.memref_slice %arg3[%squeeze3A_61, %dma_start3A_72] : memref<1000000x64xf32, #tpu.memory_space<hbm>> -> memref<1x64xf32, #tpu.memory_space<hbm>>
      tpu.enqueue_dma source(%dma_start3A_73 : memref<1x64xf32, #tpu.memory_space<hbm>>) target(%dma_start3A_71 : memref<1x64xf32, #tpu.memory_space<vmem>>) target_semaphore(%arg8 : memref<!tpu.dma_semaphore, #tpu.memory_space<semaphore_mem>>)
      %slice3A_74 = vector.extract_strided_slice %get3A_34 {offsets = [3], sizes = [1], strides = [1]} : vector<16xi32> to vector<1xi32>
      %squeeze3A_75 = vector.extract %slice3A_74[0] : i32 from vector<1xi32>
      %mul3A_76 = arith.constant 16 : i32
      %mul3A_77 = arith.muli %scan3A_27, %mul3A_76 : i32
      %add3A_78 = arith.constant 3 : i32
      %add3A_79 = arith.addi %mul3A_77, %add3A_78 : i32
      %dma_start3A_80 = arith.constant 0 : i32
      %dma_start3A_81 = tpu.memref_slice %arg6[%add3A_79, %dma_start3A_80] : memref<320x64xf32, #tpu.memory_space<vmem>> -> memref<1x64xf32, #tpu.memory_space<vmem>>
      %dma_start3A_82 = arith.constant 0 : i32
      %dma_start3A_83 = tpu.memref_slice %arg3[%squeeze3A_75, %dma_start3A_82] : memref<1000000x64xf32, #tpu.memory_space<hbm>> -> memref<1x64xf32, #tpu.memory_space<hbm>>
      %dma_start3A_84 = arith.constant 0 : i32
      %dma_start3A_85 = tpu.memref_slice %arg6[%add3A_79, %dma_start3A_84] : memref<320x64xf32, #tpu.memory_space<vmem>> -> memref<1x64xf32, #tpu.memory_space<vmem>>
      %dma_start3A_86 = arith.constant 0 : i32
      %dma_start3A_87 = tpu.memref_slice %arg3[%squeeze3A_75, %dma_start3A_86] : memref<1000000x64xf32, #tpu.memory_space<hbm>> -> memref<1x64xf32, #tpu.memory_space<hbm>>
      tpu.enqueue_dma source(%dma_start3A_87 : memref<1x64xf32, #tpu.memory_space<hbm>>) target(%dma_start3A_85 : memref<1x64xf32, #tpu.memory_space<vmem>>) target_semaphore(%arg8 : memref<!tpu.dma_semaphore, #tpu.memory_space<semaphore_mem>>)
      %slice3A_88 = vector.extract_strided_slice %get3A_34 {offsets = [4], sizes = [1], strides = [1]} : vector<16xi32> to vector<1xi32>
      %squeeze3A_89 = vector.extract %slice3A_88[0] : i32 from vector<1xi32>
      %mul3A_90 = arith.constant 16 : i32
      %mul3A_91 = arith.muli %scan3A_27, %mul3A_90 : i32
      %add3A_92 = arith.constant 4 : i32
      %add3A_93 = arith.addi %mul3A_91, %add3A_92 : i32
      %dma_start3A_94 = arith.constant 0 : i32
      %dma_start3A_95 = tpu.memref_slice %arg6[%add3A_93, %dma_start3A_94] : memref<320x64xf32, #tpu.memory_space<vmem>> -> memref<1x64xf32, #tpu.memory_space<vmem>>
      %dma_start3A_96 = arith.constant 0 : i32
      %dma_start3A_97 = tpu.memref_slice %arg3[%squeeze3A_89, %dma_start3A_96] : memref<1000000x64xf32, #tpu.memory_space<hbm>> -> memref<1x64xf32, #tpu.memory_space<hbm>>
      %dma_start3A_98 = arith.constant 0 : i32
      %dma_start3A_99 = tpu.memref_slice %arg6[%add3A_93, %dma_start3A_98] : memref<320x64xf32, #tpu.memory_space<vmem>> -> memref<1x64xf32, #tpu.memory_space<vmem>>
      %dma_start3A_100 = arith.constant 0 : i32
      %dma_start3A_101 = tpu.memref_slice %arg3[%squeeze3A_89, %dma_start3A_100] : memref<1000000x64xf32, #tpu.memory_space<hbm>> -> memref<1x64xf32, #tpu.memory_space<hbm>>
      tpu.enqueue_dma source(%dma_start3A_101 : memref<1x64xf32, #tpu.memory_space<hbm>>) target(%dma_start3A_99 : memref<1x64xf32, #tpu.memory_space<vmem>>) target_semaphore(%arg8 : memref<!tpu.dma_semaphore, #tpu.memory_space<semaphore_mem>>)
      %slice3A_102 = vector.extract_strided_slice %get3A_34 {offsets = [5], sizes = [1], strides = [1]} : vector<16xi32> to vector<1xi32>
      %squeeze3A_103 = vector.extract %slice3A_102[0] : i32 from vector<1xi32>
      %mul3A_104 = arith.constant 16 : i32
      %mul3A_105 = arith.muli %scan3A_27, %mul3A_104 : i32
      %add3A_106 = arith.constant 5 : i32
      %add3A_107 = arith.addi %mul3A_105, %add3A_106 : i32
      %dma_start3A_108 = arith.constant 0 : i32
      %dma_start3A_109 = tpu.memref_slice %arg6[%add3A_107, %dma_start3A_108] : memref<320x64xf32, #tpu.memory_space<vmem>> -> memref<1x64xf32, #tpu.memory_space<vmem>>
      %dma_start3A_110 = arith.constant 0 : i32
      %dma_start3A_111 = tpu.memref_slice %arg3[%squeeze3A_103, %dma_start3A_110] : memref<1000000x64xf32, #tpu.memory_space<hbm>> -> memref<1x64xf32, #tpu.memory_space<hbm>>
      %dma_start3A_112 = arith.constant 0 : i32
      %dma_start3A_113 = tpu.memref_slice %arg6[%add3A_107, %dma_start3A_112] : memref<320x64xf32, #tpu.memory_space<vmem>> -> memref<1x64xf32, #tpu.memory_space<vmem>>
      %dma_start3A_114 = arith.constant 0 : i32
      %dma_start3A_115 = tpu.memref_slice %arg3[%squeeze3A_103, %dma_start3A_114] : memref<1000000x64xf32, #tpu.memory_space<hbm>> -> memref<1x64xf32, #tpu.memory_space<hbm>>
      tpu.enqueue_dma source(%dma_start3A_115 : memref<1x64xf32, #tpu.memory_space<hbm>>) target(%dma_start3A_113 : memref<1x64xf32, #tpu.memory_space<vmem>>) target_semaphore(%arg8 : memref<!tpu.dma_semaphore, #tpu.memory_space<semaphore_mem>>)
      %slice3A_116 = vector.extract_strided_slice %get3A_34 {offsets = [6], sizes = [1], strides = [1]} : vector<16xi32> to vector<1xi32>
      %squeeze3A_117 = vector.extract %slice3A_116[0] : i32 from vector<1xi32>
      %mul3A_118 = arith.constant 16 : i32
      %mul3A_119 = arith.muli %scan3A_27, %mul3A_118 : i32
      %add3A_120 = arith.constant 6 : i32
      %add3A_121 = arith.addi %mul3A_119, %add3A_120 : i32
      %dma_start3A_122 = arith.constant 0 : i32
      %dma_start3A_123 = tpu.memref_slice %arg6[%add3A_121, %dma_start3A_122] : memref<320x64xf32, #tpu.memory_space<vmem>> -> memref<1x64xf32, #tpu.memory_space<vmem>>
      %dma_start3A_124 = arith.constant 0 : i32
      %dma_start3A_125 = tpu.memref_slice %arg3[%squeeze3A_117, %dma_start3A_124] : memref<1000000x64xf32, #tpu.memory_space<hbm>> -> memref<1x64xf32, #tpu.memory_space<hbm>>
      %dma_start3A_126 = arith.constant 0 : i32
      %dma_start3A_127 = tpu.memref_slice %arg6[%add3A_121, %dma_start3A_126] : memref<320x64xf32, #tpu.memory_space<vmem>> -> memref<1x64xf32, #tpu.memory_space<vmem>>
      %dma_start3A_128 = arith.constant 0 : i32
      %dma_start3A_129 = tpu.memref_slice %arg3[%squeeze3A_117, %dma_start3A_128] : memref<1000000x64xf32, #tpu.memory_space<hbm>> -> memref<1x64xf32, #tpu.memory_space<hbm>>
      tpu.enqueue_dma source(%dma_start3A_129 : memref<1x64xf32, #tpu.memory_space<hbm>>) target(%dma_start3A_127 : memref<1x64xf32, #tpu.memory_space<vmem>>) target_semaphore(%arg8 : memref<!tpu.dma_semaphore, #tpu.memory_space<semaphore_mem>>)
      %slice3A_130 = vector.extract_strided_slice %get3A_34 {offsets = [7], sizes = [1], strides = [1]} : vector<16xi32> to vector<1xi32>
      %squeeze3A_131 = vector.extract %slice3A_130[0] : i32 from vector<1xi32>
      %mul3A_132 = arith.constant 16 : i32
      %mul3A_133 = arith.muli %scan3A_27, %mul3A_132 : i32
      %add3A_134 = arith.constant 7 : i32
      %add3A_135 = arith.addi %mul3A_133, %add3A_134 : i32
      %dma_start3A_136 = arith.constant 0 : i32
      %dma_start3A_137 = tpu.memref_slice %arg6[%add3A_135, %dma_start3A_136] : memref<320x64xf32, #tpu.memory_space<vmem>> -> memref<1x64xf32, #tpu.memory_space<vmem>>
      %dma_start3A_138 = arith.constant 0 : i32
      %dma_start3A_139 = tpu.memref_slice %arg3[%squeeze3A_131, %dma_start3A_138] : memref<1000000x64xf32, #tpu.memory_space<hbm>> -> memref<1x64xf32, #tpu.memory_space<hbm>>
      %dma_start3A_140 = arith.constant 0 : i32
      %dma_start3A_141 = tpu.memref_slice %arg6[%add3A_135, %dma_start3A_140] : memref<320x64xf32, #tpu.memory_space<vmem>> -> memref<1x64xf32, #tpu.memory_space<vmem>>
      %dma_start3A_142 = arith.constant 0 : i32
      %dma_start3A_143 = tpu.memref_slice %arg3[%squeeze3A_131, %dma_start3A_142] : memref<1000000x64xf32, #tpu.memory_space<hbm>> -> memref<1x64xf32, #tpu.memory_space<hbm>>
      tpu.enqueue_dma source(%dma_start3A_143 : memref<1x64xf32, #tpu.memory_space<hbm>>) target(%dma_start3A_141 : memref<1x64xf32, #tpu.memory_space<vmem>>) target_semaphore(%arg8 : memref<!tpu.dma_semaphore, #tpu.memory_space<semaphore_mem>>)
      %slice3A_144 = vector.extract_strided_slice %get3A_34 {offsets = [8], sizes = [1], strides = [1]} : vector<16xi32> to vector<1xi32>
      %squeeze3A_145 = vector.extract %slice3A_144[0] : i32 from vector<1xi32>
      %mul3A_146 = arith.constant 16 : i32
      %mul3A_147 = arith.muli %scan3A_27, %mul3A_146 : i32
      %add3A_148 = arith.constant 8 : i32
      %add3A_149 = arith.addi %mul3A_147, %add3A_148 : i32
      %dma_start3A_150 = arith.constant 0 : i32
      %dma_start3A_151 = tpu.memref_slice %arg6[%add3A_149, %dma_start3A_150] : memref<320x64xf32, #tpu.memory_space<vmem>> -> memref<1x64xf32, #tpu.memory_space<vmem>>
      %dma_start3A_152 = arith.constant 0 : i32
      %dma_start3A_153 = tpu.memref_slice %arg3[%squeeze3A_145, %dma_start3A_152] : memref<1000000x64xf32, #tpu.memory_space<hbm>> -> memref<1x64xf32, #tpu.memory_space<hbm>>
      %dma_start3A_154 = arith.constant 0 : i32
      %dma_start3A_155 = tpu.memref_slice %arg6[%add3A_149, %dma_start3A_154] : memref<320x64xf32, #tpu.memory_space<vmem>> -> memref<1x64xf32, #tpu.memory_space<vmem>>
      %dma_start3A_156 = arith.constant 0 : i32
      %dma_start3A_157 = tpu.memref_slice %arg3[%squeeze3A_145, %dma_start3A_156] : memref<1000000x64xf32, #tpu.memory_space<hbm>> -> memref<1x64xf32, #tpu.memory_space<hbm>>
      tpu.enqueue_dma source(%dma_start3A_157 : memref<1x64xf32, #tpu.memory_space<hbm>>) target(%dma_start3A_155 : memref<1x64xf32, #tpu.memory_space<vmem>>) target_semaphore(%arg8 : memref<!tpu.dma_semaphore, #tpu.memory_space<semaphore_mem>>)
      %slice3A_158 = vector.extract_strided_slice %get3A_34 {offsets = [9], sizes = [1], strides = [1]} : vector<16xi32> to vector<1xi32>
      %squeeze3A_159 = vector.extract %slice3A_158[0] : i32 from vector<1xi32>
      %mul3A_160 = arith.constant 16 : i32
      %mul3A_161 = arith.muli %scan3A_27, %mul3A_160 : i32
      %add3A_162 = arith.constant 9 : i32
      %add3A_163 = arith.addi %mul3A_161, %add3A_162 : i32
      %dma_start3A_164 = arith.constant 0 : i32
      %dma_start3A_165 = tpu.memref_slice %arg6[%add3A_163, %dma_start3A_164] : memref<320x64xf32, #tpu.memory_space<vmem>> -> memref<1x64xf32, #tpu.memory_space<vmem>>
      %dma_start3A_166 = arith.constant 0 : i32
      %dma_start3A_167 = tpu.memref_slice %arg3[%squeeze3A_159, %dma_start3A_166] : memref<1000000x64xf32, #tpu.memory_space<hbm>> -> memref<1x64xf32, #tpu.memory_space<hbm>>
      %dma_start3A_168 = arith.constant 0 : i32
      %dma_start3A_169 = tpu.memref_slice %arg6[%add3A_163, %dma_start3A_168] : memref<320x64xf32, #tpu.memory_space<vmem>> -> memref<1x64xf32, #tpu.memory_space<vmem>>
      %dma_start3A_170 = arith.constant 0 : i32
      %dma_start3A_171 = tpu.memref_slice %arg3[%squeeze3A_159, %dma_start3A_170] : memref<1000000x64xf32, #tpu.memory_space<hbm>> -> memref<1x64xf32, #tpu.memory_space<hbm>>
      tpu.enqueue_dma source(%dma_start3A_171 : memref<1x64xf32, #tpu.memory_space<hbm>>) target(%dma_start3A_169 : memref<1x64xf32, #tpu.memory_space<vmem>>) target_semaphore(%arg8 : memref<!tpu.dma_semaphore, #tpu.memory_space<semaphore_mem>>)
      %slice3A_172 = vector.extract_strided_slice %get3A_34 {offsets = [10], sizes = [1], strides = [1]} : vector<16xi32> to vector<1xi32>
      %squeeze3A_173 = vector.extract %slice3A_172[0] : i32 from vector<1xi32>
      %mul3A_174 = arith.constant 16 : i32
      %mul3A_175 = arith.muli %scan3A_27, %mul3A_174 : i32
      %add3A_176 = arith.constant 10 : i32
      %add3A_177 = arith.addi %mul3A_175, %add3A_176 : i32
      %dma_start3A_178 = arith.constant 0 : i32
      %dma_start3A_179 = tpu.memref_slice %arg6[%add3A_177, %dma_start3A_178] : memref<320x64xf32, #tpu.memory_space<vmem>> -> memref<1x64xf32, #tpu.memory_space<vmem>>
      %dma_start3A_180 = arith.constant 0 : i32
      %dma_start3A_181 = tpu.memref_slice %arg3[%squeeze3A_173, %dma_start3A_180] : memref<1000000x64xf32, #tpu.memory_space<hbm>> -> memref<1x64xf32, #tpu.memory_space<hbm>>
      %dma_start3A_182 = arith.constant 0 : i32
      %dma_start3A_183 = tpu.memref_slice %arg6[%add3A_177, %dma_start3A_182] : memref<320x64xf32, #tpu.memory_space<vmem>> -> memref<1x64xf32, #tpu.memory_space<vmem>>
      %dma_start3A_184 = arith.constant 0 : i32
      %dma_start3A_185 = tpu.memref_slice %arg3[%squeeze3A_173, %dma_start3A_184] : memref<1000000x64xf32, #tpu.memory_space<hbm>> -> memref<1x64xf32, #tpu.memory_space<hbm>>
      tpu.enqueue_dma source(%dma_start3A_185 : memref<1x64xf32, #tpu.memory_space<hbm>>) target(%dma_start3A_183 : memref<1x64xf32, #tpu.memory_space<vmem>>) target_semaphore(%arg8 : memref<!tpu.dma_semaphore, #tpu.memory_space<semaphore_mem>>)
      %slice3A_186 = vector.extract_strided_slice %get3A_34 {offsets = [11], sizes = [1], strides = [1]} : vector<16xi32> to vector<1xi32>
      %squeeze3A_187 = vector.extract %slice3A_186[0] : i32 from vector<1xi32>
      %mul3A_188 = arith.constant 16 : i32
      %mul3A_189 = arith.muli %scan3A_27, %mul3A_188 : i32
      %add3A_190 = arith.constant 11 : i32
      %add3A_191 = arith.addi %mul3A_189, %add3A_190 : i32
      %dma_start3A_192 = arith.constant 0 : i32
      %dma_start3A_193 = tpu.memref_slice %arg6[%add3A_191, %dma_start3A_192] : memref<320x64xf32, #tpu.memory_space<vmem>> -> memref<1x64xf32, #tpu.memory_space<vmem>>
      %dma_start3A_194 = arith.constant 0 : i32
      %dma_start3A_195 = tpu.memref_slice %arg3[%squeeze3A_187, %dma_start3A_194] : memref<1000000x64xf32, #tpu.memory_space<hbm>> -> memref<1x64xf32, #tpu.memory_space<hbm>>
      %dma_start3A_196 = arith.constant 0 : i32
      %dma_start3A_197 = tpu.memref_slice %arg6[%add3A_191, %dma_start3A_196] : memref<320x64xf32, #tpu.memory_space<vmem>> -> memref<1x64xf32, #tpu.memory_space<vmem>>
      %dma_start3A_198 = arith.constant 0 : i32
      %dma_start3A_199 = tpu.memref_slice %arg3[%squeeze3A_187, %dma_start3A_198] : memref<1000000x64xf32, #tpu.memory_space<hbm>> -> memref<1x64xf32, #tpu.memory_space<hbm>>
      tpu.enqueue_dma source(%dma_start3A_199 : memref<1x64xf32, #tpu.memory_space<hbm>>) target(%dma_start3A_197 : memref<1x64xf32, #tpu.memory_space<vmem>>) target_semaphore(%arg8 : memref<!tpu.dma_semaphore, #tpu.memory_space<semaphore_mem>>)
      %slice3A_200 = vector.extract_strided_slice %get3A_34 {offsets = [12], sizes = [1], strides = [1]} : vector<16xi32> to vector<1xi32>
      %squeeze3A_201 = vector.extract %slice3A_200[0] : i32 from vector<1xi32>
      %mul3A_202 = arith.constant 16 : i32
      %mul3A_203 = arith.muli %scan3A_27, %mul3A_202 : i32
      %add3A_204 = arith.constant 12 : i32
      %add3A_205 = arith.addi %mul3A_203, %add3A_204 : i32
      %dma_start3A_206 = arith.constant 0 : i32
      %dma_start3A_207 = tpu.memref_slice %arg6[%add3A_205, %dma_start3A_206] : memref<320x64xf32, #tpu.memory_space<vmem>> -> memref<1x64xf32, #tpu.memory_space<vmem>>
      %dma_start3A_208 = arith.constant 0 : i32
      %dma_start3A_209 = tpu.memref_slice %arg3[%squeeze3A_201, %dma_start3A_208] : memref<1000000x64xf32, #tpu.memory_space<hbm>> -> memref<1x64xf32, #tpu.memory_space<hbm>>
      %dma_start3A_210 = arith.constant 0 : i32
      %dma_start3A_211 = tpu.memref_slice %arg6[%add3A_205, %dma_start3A_210] : memref<320x64xf32, #tpu.memory_space<vmem>> -> memref<1x64xf32, #tpu.memory_space<vmem>>
      %dma_start3A_212 = arith.constant 0 : i32
      %dma_start3A_213 = tpu.memref_slice %arg3[%squeeze3A_201, %dma_start3A_212] : memref<1000000x64xf32, #tpu.memory_space<hbm>> -> memref<1x64xf32, #tpu.memory_space<hbm>>
      tpu.enqueue_dma source(%dma_start3A_213 : memref<1x64xf32, #tpu.memory_space<hbm>>) target(%dma_start3A_211 : memref<1x64xf32, #tpu.memory_space<vmem>>) target_semaphore(%arg8 : memref<!tpu.dma_semaphore, #tpu.memory_space<semaphore_mem>>)
      %slice3A_214 = vector.extract_strided_slice %get3A_34 {offsets = [13], sizes = [1], strides = [1]} : vector<16xi32> to vector<1xi32>
      %squeeze3A_215 = vector.extract %slice3A_214[0] : i32 from vector<1xi32>
      %mul3A_216 = arith.constant 16 : i32
      %mul3A_217 = arith.muli %scan3A_27, %mul3A_216 : i32
      %add3A_218 = arith.constant 13 : i32
      %add3A_219 = arith.addi %mul3A_217, %add3A_218 : i32
      %dma_start3A_220 = arith.constant 0 : i32
      %dma_start3A_221 = tpu.memref_slice %arg6[%add3A_219, %dma_start3A_220] : memref<320x64xf32, #tpu.memory_space<vmem>> -> memref<1x64xf32, #tpu.memory_space<vmem>>
      %dma_start3A_222 = arith.constant 0 : i32
      %dma_start3A_223 = tpu.memref_slice %arg3[%squeeze3A_215, %dma_start3A_222] : memref<1000000x64xf32, #tpu.memory_space<hbm>> -> memref<1x64xf32, #tpu.memory_space<hbm>>
      %dma_start3A_224 = arith.constant 0 : i32
      %dma_start3A_225 = tpu.memref_slice %arg6[%add3A_219, %dma_start3A_224] : memref<320x64xf32, #tpu.memory_space<vmem>> -> memref<1x64xf32, #tpu.memory_space<vmem>>
      %dma_start3A_226 = arith.constant 0 : i32
      %dma_start3A_227 = tpu.memref_slice %arg3[%squeeze3A_215, %dma_start3A_226] : memref<1000000x64xf32, #tpu.memory_space<hbm>> -> memref<1x64xf32, #tpu.memory_space<hbm>>
      tpu.enqueue_dma source(%dma_start3A_227 : memref<1x64xf32, #tpu.memory_space<hbm>>) target(%dma_start3A_225 : memref<1x64xf32, #tpu.memory_space<vmem>>) target_semaphore(%arg8 : memref<!tpu.dma_semaphore, #tpu.memory_space<semaphore_mem>>)
      %slice3A_228 = vector.extract_strided_slice %get3A_34 {offsets = [14], sizes = [1], strides = [1]} : vector<16xi32> to vector<1xi32>
      %squeeze3A_229 = vector.extract %slice3A_228[0] : i32 from vector<1xi32>
      %mul3A_230 = arith.constant 16 : i32
      %mul3A_231 = arith.muli %scan3A_27, %mul3A_230 : i32
      %add3A_232 = arith.constant 14 : i32
      %add3A_233 = arith.addi %mul3A_231, %add3A_232 : i32
      %dma_start3A_234 = arith.constant 0 : i32
      %dma_start3A_235 = tpu.memref_slice %arg6[%add3A_233, %dma_start3A_234] : memref<320x64xf32, #tpu.memory_space<vmem>> -> memref<1x64xf32, #tpu.memory_space<vmem>>
      %dma_start3A_236 = arith.constant 0 : i32
      %dma_start3A_237 = tpu.memref_slice %arg3[%squeeze3A_229, %dma_start3A_236] : memref<1000000x64xf32, #tpu.memory_space<hbm>> -> memref<1x64xf32, #tpu.memory_space<hbm>>
      %dma_start3A_238 = arith.constant 0 : i32
      %dma_start3A_239 = tpu.memref_slice %arg6[%add3A_233, %dma_start3A_238] : memref<320x64xf32, #tpu.memory_space<vmem>> -> memref<1x64xf32, #tpu.memory_space<vmem>>
      %dma_start3A_240 = arith.constant 0 : i32
      %dma_start3A_241 = tpu.memref_slice %arg3[%squeeze3A_229, %dma_start3A_240] : memref<1000000x64xf32, #tpu.memory_space<hbm>> -> memref<1x64xf32, #tpu.memory_space<hbm>>
      tpu.enqueue_dma source(%dma_start3A_241 : memref<1x64xf32, #tpu.memory_space<hbm>>) target(%dma_start3A_239 : memref<1x64xf32, #tpu.memory_space<vmem>>) target_semaphore(%arg8 : memref<!tpu.dma_semaphore, #tpu.memory_space<semaphore_mem>>)
      %slice3A_242 = vector.extract_strided_slice %get3A_34 {offsets = [15], sizes = [1], strides = [1]} : vector<16xi32> to vector<1xi32>
      %squeeze3A_243 = vector.extract %slice3A_242[0] : i32 from vector<1xi32>
      %mul3A_244 = arith.constant 16 : i32
      %mul3A_245 = arith.muli %scan3A_27, %mul3A_244 : i32
      %add3A_246 = arith.constant 15 : i32
      %add3A_247 = arith.addi %mul3A_245, %add3A_246 : i32
      %dma_start3A_248 = arith.constant 0 : i32
      %dma_start3A_249 = tpu.memref_slice %arg6[%add3A_247, %dma_start3A_248] : memref<320x64xf32, #tpu.memory_space<vmem>> -> memref<1x64xf32, #tpu.memory_space<vmem>>
      %dma_start3A_250 = arith.constant 0 : i32
      %dma_start3A_251 = tpu.memref_slice %arg3[%squeeze3A_243, %dma_start3A_250] : memref<1000000x64xf32, #tpu.memory_space<hbm>> -> memref<1x64xf32, #tpu.memory_space<hbm>>
      %dma_start3A_252 = arith.constant 0 : i32
      %dma_start3A_253 = tpu.memref_slice %arg6[%add3A_247, %dma_start3A_252] : memref<320x64xf32, #tpu.memory_space<vmem>> -> memref<1x64xf32, #tpu.memory_space<vmem>>
      %dma_start3A_254 = arith.constant 0 : i32
      %dma_start3A_255 = tpu.memref_slice %arg3[%squeeze3A_243, %dma_start3A_254] : memref<1000000x64xf32, #tpu.memory_space<hbm>> -> memref<1x64xf32, #tpu.memory_space<hbm>>
      tpu.enqueue_dma source(%dma_start3A_255 : memref<1x64xf32, #tpu.memory_space<hbm>>) target(%dma_start3A_253 : memref<1x64xf32, #tpu.memory_space<vmem>>) target_semaphore(%arg8 : memref<!tpu.dma_semaphore, #tpu.memory_space<semaphore_mem>>)
      %scan3A_256 = arith.constant 0 : i32
      scf.yield %scan3A_256 : i32
    }
    %scan3A_8 = arith.constant 20 : i32
    %scan3A_9 = arith.constant 0 : i32
    %scan3A_10 = arith.constant 0 : i32
    %scan3A_11 = arith.constant 40 : i32
    %scan3A_12 = arith.addi %scan3A_10, %scan3A_11 : i32
    %scan3A_13 = arith.constant 1 : i32
    %scan3A_14 = scf.for %scan3A_27 = %scan3A_10 to %scan3A_12 step %scan3A_13 iter_args(%scan3A_28 = %scan3A_9) -> (i32)  : i32 {
      %mul3A_29 = arith.constant 2 : i32
      %mul3A_30 = arith.muli %mul3A_29, %scan3A_27 : i32
      %add3A_31 = arith.constant 0 : i32
      %add3A_32 = arith.addi %mul3A_30, %add3A_31 : i32
      %add3A_33 = arith.constant 1 : i32
      %add3A_34 = arith.addi %add3A_32, %add3A_33 : i32
      %lt3A = arith.constant 80 : i32
      %lt3A_35 = arith.cmpi slt, %add3A_34, %lt3A : i32
      %convert_element_type3A = arith.extui %lt3A_35 : i1 to i32
      %cond3A = arith.constant 0 : i32
      %cond3A_36 = arith.cmpi ne, %convert_element_type3A, %cond3A : i32
      scf.if %cond3A_36 {
        %ge3A = arith.constant 1 : i32
        %ge3A_74 = arith.cmpi sge, %add3A_32, %ge3A : i32
        %convert_element_type3A_75 = arith.extui %ge3A_74 : i1 to i32
        %cond3A_76 = arith.constant 0 : i32
        %cond3A_77 = arith.cmpi ne, %convert_element_type3A_75, %cond3A_76 : i32
        scf.if %cond3A_77 {
          %mul3A_87 = arith.constant 320 : i32
          %mul3A_88 = arith.muli %add3A_32, %mul3A_87 : i32
          %add3A_89 = arith.addi %mul3A_2, %mul3A_88 : i32
          %dma_wait3A_90 = arith.constant 0 : i32
          %dma_wait3A_91 = tpu.memref_slice %arg4[%add3A_89, %dma_wait3A_90] : memref<819200x64xf32, #tpu.memory_space<hbm>> -> memref<320x64xf32, #tpu.memory_space<hbm>>
          %dma_wait3A_92 = arith.constant 0 : i32
          %dma_wait3A_93 = tpu.memref_slice %arg4[%add3A_89, %dma_wait3A_92] : memref<819200x64xf32, #tpu.memory_space<hbm>> -> memref<320x64xf32, #tpu.memory_space<hbm>>
          tpu.wait_dma2 semaphore(%arg11 : memref<!tpu.dma_semaphore, #tpu.memory_space<semaphore_mem>>) src(%arg7 : memref<320x64xf32, #tpu.memory_space<vmem>>) dst(%dma_wait3A_93 : memref<320x64xf32, #tpu.memory_space<hbm>>)
        } else {
        }
        %add3A_78 = arith.constant 1 : i32
        %add3A_79 = arith.addi %add3A_32, %add3A_78 : i32
        %scan3A_80 = arith.constant 0 : i32
        %scan3A_81 = arith.constant 0 : i32
        %scan3A_82 = arith.constant 20 : i32
        %scan3A_83 = arith.addi %scan3A_81, %scan3A_82 : i32
        %scan3A_84 = arith.constant 1 : i32
        %scan3A_85 = scf.for %scan3A_87 = %scan3A_81 to %scan3A_83 step %scan3A_84 iter_args(%scan3A_88 = %scan3A_80) -> (i32)  : i32 {
          %mul3A_89 = arith.constant 320 : i32
          %mul3A_90 = arith.muli %add3A_79, %mul3A_89 : i32
          %mul3A_91 = arith.constant 16 : i32
          %mul3A_92 = arith.muli %scan3A_87, %mul3A_91 : i32
          %add3A_93 = arith.addi %mul3A_90, %mul3A_92 : i32
          %get3A = arith.index_cast %add3A_93 : i32 to index
          %get3A_94 = tpu.vector_load %arg5[%get3A] {strides = array<i32>} : memref<25600xi32, #tpu.memory_space<vmem>>, vector<16xi32>,
          %get3A_95 = vector.shape_cast %get3A_94 : vector<16xi32> to vector<16xi32>
          %slice3A = vector.extract_strided_slice %get3A_95 {offsets = [0], sizes = [1], strides = [1]} : vector<16xi32> to vector<1xi32>
          %squeeze3A = vector.extract %slice3A[0] : i32 from vector<1xi32>
          %mul3A_96 = arith.constant 16 : i32
          %mul3A_97 = arith.muli %scan3A_87, %mul3A_96 : i32
          %add3A_98 = arith.constant 0 : i32
          %add3A_99 = arith.addi %mul3A_97, %add3A_98 : i32
          %dma_start3A_100 = arith.constant 0 : i32
          %dma_start3A_101 = tpu.memref_slice %arg7[%add3A_99, %dma_start3A_100] : memref<320x64xf32, #tpu.memory_space<vmem>> -> memref<1x64xf32, #tpu.memory_space<vmem>>
          %dma_start3A_102 = arith.constant 0 : i32
          %dma_start3A_103 = tpu.memref_slice %arg3[%squeeze3A, %dma_start3A_102] : memref<1000000x64xf32, #tpu.memory_space<hbm>> -> memref<1x64xf32, #tpu.memory_space<hbm>>
          %dma_start3A_104 = arith.constant 0 : i32
          %dma_start3A_105 = tpu.memref_slice %arg7[%add3A_99, %dma_start3A_104] : memref<320x64xf32, #tpu.memory_space<vmem>> -> memref<1x64xf32, #tpu.memory_space<vmem>>
          %dma_start3A_106 = arith.constant 0 : i32
          %dma_start3A_107 = tpu.memref_slice %arg3[%squeeze3A, %dma_start3A_106] : memref<1000000x64xf32, #tpu.memory_space<hbm>> -> memref<1x64xf32, #tpu.memory_space<hbm>>
          tpu.enqueue_dma source(%dma_start3A_107 : memref<1x64xf32, #tpu.memory_space<hbm>>) target(%dma_start3A_105 : memref<1x64xf32, #tpu.memory_space<vmem>>) target_semaphore(%arg9 : memref<!tpu.dma_semaphore, #tpu.memory_space<semaphore_mem>>)
          %slice3A_108 = vector.extract_strided_slice %get3A_95 {offsets = [1], sizes = [1], strides = [1]} : vector<16xi32> to vector<1xi32>
          %squeeze3A_109 = vector.extract %slice3A_108[0] : i32 from vector<1xi32>
          %mul3A_110 = arith.constant 16 : i32
          %mul3A_111 = arith.muli %scan3A_87, %mul3A_110 : i32
          %add3A_112 = arith.constant 1 : i32
          %add3A_113 = arith.addi %mul3A_111, %add3A_112 : i32
          %dma_start3A_114 = arith.constant 0 : i32
          %dma_start3A_115 = tpu.memref_slice %arg7[%add3A_113, %dma_start3A_114] : memref<320x64xf32, #tpu.memory_space<vmem>> -> memref<1x64xf32, #tpu.memory_space<vmem>>
          %dma_start3A_116 = arith.constant 0 : i32
          %dma_start3A_117 = tpu.memref_slice %arg3[%squeeze3A_109, %dma_start3A_116] : memref<1000000x64xf32, #tpu.memory_space<hbm>> -> memref<1x64xf32, #tpu.memory_space<hbm>>
          %dma_start3A_118 = arith.constant 0 : i32
          %dma_start3A_119 = tpu.memref_slice %arg7[%add3A_113, %dma_start3A_118] : memref<320x64xf32, #tpu.memory_space<vmem>> -> memref<1x64xf32, #tpu.memory_space<vmem>>
          %dma_start3A_120 = arith.constant 0 : i32
          %dma_start3A_121 = tpu.memref_slice %arg3[%squeeze3A_109, %dma_start3A_120] : memref<1000000x64xf32, #tpu.memory_space<hbm>> -> memref<1x64xf32, #tpu.memory_space<hbm>>
          tpu.enqueue_dma source(%dma_start3A_121 : memref<1x64xf32, #tpu.memory_space<hbm>>) target(%dma_start3A_119 : memref<1x64xf32, #tpu.memory_space<vmem>>) target_semaphore(%arg9 : memref<!tpu.dma_semaphore, #tpu.memory_space<semaphore_mem>>)
          %slice3A_122 = vector.extract_strided_slice %get3A_95 {offsets = [2], sizes = [1], strides = [1]} : vector<16xi32> to vector<1xi32>
          %squeeze3A_123 = vector.extract %slice3A_122[0] : i32 from vector<1xi32>
          %mul3A_124 = arith.constant 16 : i32
          %mul3A_125 = arith.muli %scan3A_87, %mul3A_124 : i32
          %add3A_126 = arith.constant 2 : i32
          %add3A_127 = arith.addi %mul3A_125, %add3A_126 : i32
          %dma_start3A_128 = arith.constant 0 : i32
          %dma_start3A_129 = tpu.memref_slice %arg7[%add3A_127, %dma_start3A_128] : memref<320x64xf32, #tpu.memory_space<vmem>> -> memref<1x64xf32, #tpu.memory_space<vmem>>
          %dma_start3A_130 = arith.constant 0 : i32
          %dma_start3A_131 = tpu.memref_slice %arg3[%squeeze3A_123, %dma_start3A_130] : memref<1000000x64xf32, #tpu.memory_space<hbm>> -> memref<1x64xf32, #tpu.memory_space<hbm>>
          %dma_start3A_132 = arith.constant 0 : i32
          %dma_start3A_133 = tpu.memref_slice %arg7[%add3A_127, %dma_start3A_132] : memref<320x64xf32, #tpu.memory_space<vmem>> -> memref<1x64xf32, #tpu.memory_space<vmem>>
          %dma_start3A_134 = arith.constant 0 : i32
          %dma_start3A_135 = tpu.memref_slice %arg3[%squeeze3A_123, %dma_start3A_134] : memref<1000000x64xf32, #tpu.memory_space<hbm>> -> memref<1x64xf32, #tpu.memory_space<hbm>>
          tpu.enqueue_dma source(%dma_start3A_135 : memref<1x64xf32, #tpu.memory_space<hbm>>) target(%dma_start3A_133 : memref<1x64xf32, #tpu.memory_space<vmem>>) target_semaphore(%arg9 : memref<!tpu.dma_semaphore, #tpu.memory_space<semaphore_mem>>)
          %slice3A_136 = vector.extract_strided_slice %get3A_95 {offsets = [3], sizes = [1], strides = [1]} : vector<16xi32> to vector<1xi32>
          %squeeze3A_137 = vector.extract %slice3A_136[0] : i32 from vector<1xi32>
          %mul3A_138 = arith.constant 16 : i32
          %mul3A_139 = arith.muli %scan3A_87, %mul3A_138 : i32
          %add3A_140 = arith.constant 3 : i32
          %add3A_141 = arith.addi %mul3A_139, %add3A_140 : i32
          %dma_start3A_142 = arith.constant 0 : i32
          %dma_start3A_143 = tpu.memref_slice %arg7[%add3A_141, %dma_start3A_142] : memref<320x64xf32, #tpu.memory_space<vmem>> -> memref<1x64xf32, #tpu.memory_space<vmem>>
          %dma_start3A_144 = arith.constant 0 : i32
          %dma_start3A_145 = tpu.memref_slice %arg3[%squeeze3A_137, %dma_start3A_144] : memref<1000000x64xf32, #tpu.memory_space<hbm>> -> memref<1x64xf32, #tpu.memory_space<hbm>>
          %dma_start3A_146 = arith.constant 0 : i32
          %dma_start3A_147 = tpu.memref_slice %arg7[%add3A_141, %dma_start3A_146] : memref<320x64xf32, #tpu.memory_space<vmem>> -> memref<1x64xf32, #tpu.memory_space<vmem>>
          %dma_start3A_148 = arith.constant 0 : i32
          %dma_start3A_149 = tpu.memref_slice %arg3[%squeeze3A_137, %dma_start3A_148] : memref<1000000x64xf32, #tpu.memory_space<hbm>> -> memref<1x64xf32, #tpu.memory_space<hbm>>
          tpu.enqueue_dma source(%dma_start3A_149 : memref<1x64xf32, #tpu.memory_space<hbm>>) target(%dma_start3A_147 : memref<1x64xf32, #tpu.memory_space<vmem>>) target_semaphore(%arg9 : memref<!tpu.dma_semaphore, #tpu.memory_space<semaphore_mem>>)
          %slice3A_150 = vector.extract_strided_slice %get3A_95 {offsets = [4], sizes = [1], strides = [1]} : vector<16xi32> to vector<1xi32>
          %squeeze3A_151 = vector.extract %slice3A_150[0] : i32 from vector<1xi32>
          %mul3A_152 = arith.constant 16 : i32
          %mul3A_153 = arith.muli %scan3A_87, %mul3A_152 : i32
          %add3A_154 = arith.constant 4 : i32
          %add3A_155 = arith.addi %mul3A_153, %add3A_154 : i32
          %dma_start3A_156 = arith.constant 0 : i32
          %dma_start3A_157 = tpu.memref_slice %arg7[%add3A_155, %dma_start3A_156] : memref<320x64xf32, #tpu.memory_space<vmem>> -> memref<1x64xf32, #tpu.memory_space<vmem>>
          %dma_start3A_158 = arith.constant 0 : i32
          %dma_start3A_159 = tpu.memref_slice %arg3[%squeeze3A_151, %dma_start3A_158] : memref<1000000x64xf32, #tpu.memory_space<hbm>> -> memref<1x64xf32, #tpu.memory_space<hbm>>
          %dma_start3A_160 = arith.constant 0 : i32
          %dma_start3A_161 = tpu.memref_slice %arg7[%add3A_155, %dma_start3A_160] : memref<320x64xf32, #tpu.memory_space<vmem>> -> memref<1x64xf32, #tpu.memory_space<vmem>>
          %dma_start3A_162 = arith.constant 0 : i32
          %dma_start3A_163 = tpu.memref_slice %arg3[%squeeze3A_151, %dma_start3A_162] : memref<1000000x64xf32, #tpu.memory_space<hbm>> -> memref<1x64xf32, #tpu.memory_space<hbm>>
          tpu.enqueue_dma source(%dma_start3A_163 : memref<1x64xf32, #tpu.memory_space<hbm>>) target(%dma_start3A_161 : memref<1x64xf32, #tpu.memory_space<vmem>>) target_semaphore(%arg9 : memref<!tpu.dma_semaphore, #tpu.memory_space<semaphore_mem>>)
          %slice3A_164 = vector.extract_strided_slice %get3A_95 {offsets = [5], sizes = [1], strides = [1]} : vector<16xi32> to vector<1xi32>
          %squeeze3A_165 = vector.extract %slice3A_164[0] : i32 from vector<1xi32>
          %mul3A_166 = arith.constant 16 : i32
          %mul3A_167 = arith.muli %scan3A_87, %mul3A_166 : i32
          %add3A_168 = arith.constant 5 : i32
          %add3A_169 = arith.addi %mul3A_167, %add3A_168 : i32
          %dma_start3A_170 = arith.constant 0 : i32
          %dma_start3A_171 = tpu.memref_slice %arg7[%add3A_169, %dma_start3A_170] : memref<320x64xf32, #tpu.memory_space<vmem>> -> memref<1x64xf32, #tpu.memory_space<vmem>>
          %dma_start3A_172 = arith.constant 0 : i32
          %dma_start3A_173 = tpu.memref_slice %arg3[%squeeze3A_165, %dma_start3A_172] : memref<1000000x64xf32, #tpu.memory_space<hbm>> -> memref<1x64xf32, #tpu.memory_space<hbm>>
          %dma_start3A_174 = arith.constant 0 : i32
          %dma_start3A_175 = tpu.memref_slice %arg7[%add3A_169, %dma_start3A_174] : memref<320x64xf32, #tpu.memory_space<vmem>> -> memref<1x64xf32, #tpu.memory_space<vmem>>
          %dma_start3A_176 = arith.constant 0 : i32
          %dma_start3A_177 = tpu.memref_slice %arg3[%squeeze3A_165, %dma_start3A_176] : memref<1000000x64xf32, #tpu.memory_space<hbm>> -> memref<1x64xf32, #tpu.memory_space<hbm>>
          tpu.enqueue_dma source(%dma_start3A_177 : memref<1x64xf32, #tpu.memory_space<hbm>>) target(%dma_start3A_175 : memref<1x64xf32, #tpu.memory_space<vmem>>) target_semaphore(%arg9 : memref<!tpu.dma_semaphore, #tpu.memory_space<semaphore_mem>>)
          %slice3A_178 = vector.extract_strided_slice %get3A_95 {offsets = [6], sizes = [1], strides = [1]} : vector<16xi32> to vector<1xi32>
          %squeeze3A_179 = vector.extract %slice3A_178[0] : i32 from vector<1xi32>
          %mul3A_180 = arith.constant 16 : i32
          %mul3A_181 = arith.muli %scan3A_87, %mul3A_180 : i32
          %add3A_182 = arith.constant 6 : i32
          %add3A_183 = arith.addi %mul3A_181, %add3A_182 : i32
          %dma_start3A_184 = arith.constant 0 : i32
          %dma_start3A_185 = tpu.memref_slice %arg7[%add3A_183, %dma_start3A_184] : memref<320x64xf32, #tpu.memory_space<vmem>> -> memref<1x64xf32, #tpu.memory_space<vmem>>
          %dma_start3A_186 = arith.constant 0 : i32
          %dma_start3A_187 = tpu.memref_slice %arg3[%squeeze3A_179, %dma_start3A_186] : memref<1000000x64xf32, #tpu.memory_space<hbm>> -> memref<1x64xf32, #tpu.memory_space<hbm>>
          %dma_start3A_188 = arith.constant 0 : i32
          %dma_start3A_189 = tpu.memref_slice %arg7[%add3A_183, %dma_start3A_188] : memref<320x64xf32, #tpu.memory_space<vmem>> -> memref<1x64xf32, #tpu.memory_space<vmem>>
          %dma_start3A_190 = arith.constant 0 : i32
          %dma_start3A_191 = tpu.memref_slice %arg3[%squeeze3A_179, %dma_start3A_190] : memref<1000000x64xf32, #tpu.memory_space<hbm>> -> memref<1x64xf32, #tpu.memory_space<hbm>>
          tpu.enqueue_dma source(%dma_start3A_191 : memref<1x64xf32, #tpu.memory_space<hbm>>) target(%dma_start3A_189 : memref<1x64xf32, #tpu.memory_space<vmem>>) target_semaphore(%arg9 : memref<!tpu.dma_semaphore, #tpu.memory_space<semaphore_mem>>)
          %slice3A_192 = vector.extract_strided_slice %get3A_95 {offsets = [7], sizes = [1], strides = [1]} : vector<16xi32> to vector<1xi32>
          %squeeze3A_193 = vector.extract %slice3A_192[0] : i32 from vector<1xi32>
          %mul3A_194 = arith.constant 16 : i32
          %mul3A_195 = arith.muli %scan3A_87, %mul3A_194 : i32
          %add3A_196 = arith.constant 7 : i32
          %add3A_197 = arith.addi %mul3A_195, %add3A_196 : i32
          %dma_start3A_198 = arith.constant 0 : i32
          %dma_start3A_199 = tpu.memref_slice %arg7[%add3A_197, %dma_start3A_198] : memref<320x64xf32, #tpu.memory_space<vmem>> -> memref<1x64xf32, #tpu.memory_space<vmem>>
          %dma_start3A_200 = arith.constant 0 : i32
          %dma_start3A_201 = tpu.memref_slice %arg3[%squeeze3A_193, %dma_start3A_200] : memref<1000000x64xf32, #tpu.memory_space<hbm>> -> memref<1x64xf32, #tpu.memory_space<hbm>>
          %dma_start3A_202 = arith.constant 0 : i32
          %dma_start3A_203 = tpu.memref_slice %arg7[%add3A_197, %dma_start3A_202] : memref<320x64xf32, #tpu.memory_space<vmem>> -> memref<1x64xf32, #tpu.memory_space<vmem>>
          %dma_start3A_204 = arith.constant 0 : i32
          %dma_start3A_205 = tpu.memref_slice %arg3[%squeeze3A_193, %dma_start3A_204] : memref<1000000x64xf32, #tpu.memory_space<hbm>> -> memref<1x64xf32, #tpu.memory_space<hbm>>
          tpu.enqueue_dma source(%dma_start3A_205 : memref<1x64xf32, #tpu.memory_space<hbm>>) target(%dma_start3A_203 : memref<1x64xf32, #tpu.memory_space<vmem>>) target_semaphore(%arg9 : memref<!tpu.dma_semaphore, #tpu.memory_space<semaphore_mem>>)
          %slice3A_206 = vector.extract_strided_slice %get3A_95 {offsets = [8], sizes = [1], strides = [1]} : vector<16xi32> to vector<1xi32>
          %squeeze3A_207 = vector.extract %slice3A_206[0] : i32 from vector<1xi32>
          %mul3A_208 = arith.constant 16 : i32
          %mul3A_209 = arith.muli %scan3A_87, %mul3A_208 : i32
          %add3A_210 = arith.constant 8 : i32
          %add3A_211 = arith.addi %mul3A_209, %add3A_210 : i32
          %dma_start3A_212 = arith.constant 0 : i32
          %dma_start3A_213 = tpu.memref_slice %arg7[%add3A_211, %dma_start3A_212] : memref<320x64xf32, #tpu.memory_space<vmem>> -> memref<1x64xf32, #tpu.memory_space<vmem>>
          %dma_start3A_214 = arith.constant 0 : i32
          %dma_start3A_215 = tpu.memref_slice %arg3[%squeeze3A_207, %dma_start3A_214] : memref<1000000x64xf32, #tpu.memory_space<hbm>> -> memref<1x64xf32, #tpu.memory_space<hbm>>
          %dma_start3A_216 = arith.constant 0 : i32
          %dma_start3A_217 = tpu.memref_slice %arg7[%add3A_211, %dma_start3A_216] : memref<320x64xf32, #tpu.memory_space<vmem>> -> memref<1x64xf32, #tpu.memory_space<vmem>>
          %dma_start3A_218 = arith.constant 0 : i32
          %dma_start3A_219 = tpu.memref_slice %arg3[%squeeze3A_207, %dma_start3A_218] : memref<1000000x64xf32, #tpu.memory_space<hbm>> -> memref<1x64xf32, #tpu.memory_space<hbm>>
          tpu.enqueue_dma source(%dma_start3A_219 : memref<1x64xf32, #tpu.memory_space<hbm>>) target(%dma_start3A_217 : memref<1x64xf32, #tpu.memory_space<vmem>>) target_semaphore(%arg9 : memref<!tpu.dma_semaphore, #tpu.memory_space<semaphore_mem>>)
          %slice3A_220 = vector.extract_strided_slice %get3A_95 {offsets = [9], sizes = [1], strides = [1]} : vector<16xi32> to vector<1xi32>
          %squeeze3A_221 = vector.extract %slice3A_220[0] : i32 from vector<1xi32>
          %mul3A_222 = arith.constant 16 : i32
          %mul3A_223 = arith.muli %scan3A_87, %mul3A_222 : i32
          %add3A_224 = arith.constant 9 : i32
          %add3A_225 = arith.addi %mul3A_223, %add3A_224 : i32
          %dma_start3A_226 = arith.constant 0 : i32
          %dma_start3A_227 = tpu.memref_slice %arg7[%add3A_225, %dma_start3A_226] : memref<320x64xf32, #tpu.memory_space<vmem>> -> memref<1x64xf32, #tpu.memory_space<vmem>>
          %dma_start3A_228 = arith.constant 0 : i32
          %dma_start3A_229 = tpu.memref_slice %arg3[%squeeze3A_221, %dma_start3A_228] : memref<1000000x64xf32, #tpu.memory_space<hbm>> -> memref<1x64xf32, #tpu.memory_space<hbm>>
          %dma_start3A_230 = arith.constant 0 : i32
          %dma_start3A_231 = tpu.memref_slice %arg7[%add3A_225, %dma_start3A_230] : memref<320x64xf32, #tpu.memory_space<vmem>> -> memref<1x64xf32, #tpu.memory_space<vmem>>
          %dma_start3A_232 = arith.constant 0 : i32
          %dma_start3A_233 = tpu.memref_slice %arg3[%squeeze3A_221, %dma_start3A_232] : memref<1000000x64xf32, #tpu.memory_space<hbm>> -> memref<1x64xf32, #tpu.memory_space<hbm>>
          tpu.enqueue_dma source(%dma_start3A_233 : memref<1x64xf32, #tpu.memory_space<hbm>>) target(%dma_start3A_231 : memref<1x64xf32, #tpu.memory_space<vmem>>) target_semaphore(%arg9 : memref<!tpu.dma_semaphore, #tpu.memory_space<semaphore_mem>>)
          %slice3A_234 = vector.extract_strided_slice %get3A_95 {offsets = [10], sizes = [1], strides = [1]} : vector<16xi32> to vector<1xi32>
          %squeeze3A_235 = vector.extract %slice3A_234[0] : i32 from vector<1xi32>
          %mul3A_236 = arith.constant 16 : i32
          %mul3A_237 = arith.muli %scan3A_87, %mul3A_236 : i32
          %add3A_238 = arith.constant 10 : i32
          %add3A_239 = arith.addi %mul3A_237, %add3A_238 : i32
          %dma_start3A_240 = arith.constant 0 : i32
          %dma_start3A_241 = tpu.memref_slice %arg7[%add3A_239, %dma_start3A_240] : memref<320x64xf32, #tpu.memory_space<vmem>> -> memref<1x64xf32, #tpu.memory_space<vmem>>
          %dma_start3A_242 = arith.constant 0 : i32
          %dma_start3A_243 = tpu.memref_slice %arg3[%squeeze3A_235, %dma_start3A_242] : memref<1000000x64xf32, #tpu.memory_space<hbm>> -> memref<1x64xf32, #tpu.memory_space<hbm>>
          %dma_start3A_244 = arith.constant 0 : i32
          %dma_start3A_245 = tpu.memref_slice %arg7[%add3A_239, %dma_start3A_244] : memref<320x64xf32, #tpu.memory_space<vmem>> -> memref<1x64xf32, #tpu.memory_space<vmem>>
          %dma_start3A_246 = arith.constant 0 : i32
          %dma_start3A_247 = tpu.memref_slice %arg3[%squeeze3A_235, %dma_start3A_246] : memref<1000000x64xf32, #tpu.memory_space<hbm>> -> memref<1x64xf32, #tpu.memory_space<hbm>>
          tpu.enqueue_dma source(%dma_start3A_247 : memref<1x64xf32, #tpu.memory_space<hbm>>) target(%dma_start3A_245 : memref<1x64xf32, #tpu.memory_space<vmem>>) target_semaphore(%arg9 : memref<!tpu.dma_semaphore, #tpu.memory_space<semaphore_mem>>)
          %slice3A_248 = vector.extract_strided_slice %get3A_95 {offsets = [11], sizes = [1], strides = [1]} : vector<16xi32> to vector<1xi32>
          %squeeze3A_249 = vector.extract %slice3A_248[0] : i32 from vector<1xi32>
          %mul3A_250 = arith.constant 16 : i32
          %mul3A_251 = arith.muli %scan3A_87, %mul3A_250 : i32
          %add3A_252 = arith.constant 11 : i32
          %add3A_253 = arith.addi %mul3A_251, %add3A_252 : i32
          %dma_start3A_254 = arith.constant 0 : i32
          %dma_start3A_255 = tpu.memref_slice %arg7[%add3A_253, %dma_start3A_254] : memref<320x64xf32, #tpu.memory_space<vmem>> -> memref<1x64xf32, #tpu.memory_space<vmem>>
          %dma_start3A_256 = arith.constant 0 : i32
          %dma_start3A_257 = tpu.memref_slice %arg3[%squeeze3A_249, %dma_start3A_256] : memref<1000000x64xf32, #tpu.memory_space<hbm>> -> memref<1x64xf32, #tpu.memory_space<hbm>>
          %dma_start3A_258 = arith.constant 0 : i32
          %dma_start3A_259 = tpu.memref_slice %arg7[%add3A_253, %dma_start3A_258] : memref<320x64xf32, #tpu.memory_space<vmem>> -> memref<1x64xf32, #tpu.memory_space<vmem>>
          %dma_start3A_260 = arith.constant 0 : i32
          %dma_start3A_261 = tpu.memref_slice %arg3[%squeeze3A_249, %dma_start3A_260] : memref<1000000x64xf32, #tpu.memory_space<hbm>> -> memref<1x64xf32, #tpu.memory_space<hbm>>
          tpu.enqueue_dma source(%dma_start3A_261 : memref<1x64xf32, #tpu.memory_space<hbm>>) target(%dma_start3A_259 : memref<1x64xf32, #tpu.memory_space<vmem>>) target_semaphore(%arg9 : memref<!tpu.dma_semaphore, #tpu.memory_space<semaphore_mem>>)
          %slice3A_262 = vector.extract_strided_slice %get3A_95 {offsets = [12], sizes = [1], strides = [1]} : vector<16xi32> to vector<1xi32>
          %squeeze3A_263 = vector.extract %slice3A_262[0] : i32 from vector<1xi32>
          %mul3A_264 = arith.constant 16 : i32
          %mul3A_265 = arith.muli %scan3A_87, %mul3A_264 : i32
          %add3A_266 = arith.constant 12 : i32
          %add3A_267 = arith.addi %mul3A_265, %add3A_266 : i32
          %dma_start3A_268 = arith.constant 0 : i32
          %dma_start3A_269 = tpu.memref_slice %arg7[%add3A_267, %dma_start3A_268] : memref<320x64xf32, #tpu.memory_space<vmem>> -> memref<1x64xf32, #tpu.memory_space<vmem>>
          %dma_start3A_270 = arith.constant 0 : i32
          %dma_start3A_271 = tpu.memref_slice %arg3[%squeeze3A_263, %dma_start3A_270] : memref<1000000x64xf32, #tpu.memory_space<hbm>> -> memref<1x64xf32, #tpu.memory_space<hbm>>
          %dma_start3A_272 = arith.constant 0 : i32
          %dma_start3A_273 = tpu.memref_slice %arg7[%add3A_267, %dma_start3A_272] : memref<320x64xf32, #tpu.memory_space<vmem>> -> memref<1x64xf32, #tpu.memory_space<vmem>>
          %dma_start3A_274 = arith.constant 0 : i32
          %dma_start3A_275 = tpu.memref_slice %arg3[%squeeze3A_263, %dma_start3A_274] : memref<1000000x64xf32, #tpu.memory_space<hbm>> -> memref<1x64xf32, #tpu.memory_space<hbm>>
          tpu.enqueue_dma source(%dma_start3A_275 : memref<1x64xf32, #tpu.memory_space<hbm>>) target(%dma_start3A_273 : memref<1x64xf32, #tpu.memory_space<vmem>>) target_semaphore(%arg9 : memref<!tpu.dma_semaphore, #tpu.memory_space<semaphore_mem>>)
          %slice3A_276 = vector.extract_strided_slice %get3A_95 {offsets = [13], sizes = [1], strides = [1]} : vector<16xi32> to vector<1xi32>
          %squeeze3A_277 = vector.extract %slice3A_276[0] : i32 from vector<1xi32>
          %mul3A_278 = arith.constant 16 : i32
          %mul3A_279 = arith.muli %scan3A_87, %mul3A_278 : i32
          %add3A_280 = arith.constant 13 : i32
          %add3A_281 = arith.addi %mul3A_279, %add3A_280 : i32
          %dma_start3A_282 = arith.constant 0 : i32
          %dma_start3A_283 = tpu.memref_slice %arg7[%add3A_281, %dma_start3A_282] : memref<320x64xf32, #tpu.memory_space<vmem>> -> memref<1x64xf32, #tpu.memory_space<vmem>>
          %dma_start3A_284 = arith.constant 0 : i32
          %dma_start3A_285 = tpu.memref_slice %arg3[%squeeze3A_277, %dma_start3A_284] : memref<1000000x64xf32, #tpu.memory_space<hbm>> -> memref<1x64xf32, #tpu.memory_space<hbm>>
          %dma_start3A_286 = arith.constant 0 : i32
          %dma_start3A_287 = tpu.memref_slice %arg7[%add3A_281, %dma_start3A_286] : memref<320x64xf32, #tpu.memory_space<vmem>> -> memref<1x64xf32, #tpu.memory_space<vmem>>
          %dma_start3A_288 = arith.constant 0 : i32
          %dma_start3A_289 = tpu.memref_slice %arg3[%squeeze3A_277, %dma_start3A_288] : memref<1000000x64xf32, #tpu.memory_space<hbm>> -> memref<1x64xf32, #tpu.memory_space<hbm>>
          tpu.enqueue_dma source(%dma_start3A_289 : memref<1x64xf32, #tpu.memory_space<hbm>>) target(%dma_start3A_287 : memref<1x64xf32, #tpu.memory_space<vmem>>) target_semaphore(%arg9 : memref<!tpu.dma_semaphore, #tpu.memory_space<semaphore_mem>>)
          %slice3A_290 = vector.extract_strided_slice %get3A_95 {offsets = [14], sizes = [1], strides = [1]} : vector<16xi32> to vector<1xi32>
          %squeeze3A_291 = vector.extract %slice3A_290[0] : i32 from vector<1xi32>
          %mul3A_292 = arith.constant 16 : i32
          %mul3A_293 = arith.muli %scan3A_87, %mul3A_292 : i32
          %add3A_294 = arith.constant 14 : i32
          %add3A_295 = arith.addi %mul3A_293, %add3A_294 : i32
          %dma_start3A_296 = arith.constant 0 : i32
          %dma_start3A_297 = tpu.memref_slice %arg7[%add3A_295, %dma_start3A_296] : memref<320x64xf32, #tpu.memory_space<vmem>> -> memref<1x64xf32, #tpu.memory_space<vmem>>
          %dma_start3A_298 = arith.constant 0 : i32
          %dma_start3A_299 = tpu.memref_slice %arg3[%squeeze3A_291, %dma_start3A_298] : memref<1000000x64xf32, #tpu.memory_space<hbm>> -> memref<1x64xf32, #tpu.memory_space<hbm>>
          %dma_start3A_300 = arith.constant 0 : i32
          %dma_start3A_301 = tpu.memref_slice %arg7[%add3A_295, %dma_start3A_300] : memref<320x64xf32, #tpu.memory_space<vmem>> -> memref<1x64xf32, #tpu.memory_space<vmem>>
          %dma_start3A_302 = arith.constant 0 : i32
          %dma_start3A_303 = tpu.memref_slice %arg3[%squeeze3A_291, %dma_start3A_302] : memref<1000000x64xf32, #tpu.memory_space<hbm>> -> memref<1x64xf32, #tpu.memory_space<hbm>>
          tpu.enqueue_dma source(%dma_start3A_303 : memref<1x64xf32, #tpu.memory_space<hbm>>) target(%dma_start3A_301 : memref<1x64xf32, #tpu.memory_space<vmem>>) target_semaphore(%arg9 : memref<!tpu.dma_semaphore, #tpu.memory_space<semaphore_mem>>)
          %slice3A_304 = vector.extract_strided_slice %get3A_95 {offsets = [15], sizes = [1], strides = [1]} : vector<16xi32> to vector<1xi32>
          %squeeze3A_305 = vector.extract %slice3A_304[0] : i32 from vector<1xi32>
          %mul3A_306 = arith.constant 16 : i32
          %mul3A_307 = arith.muli %scan3A_87, %mul3A_306 : i32
          %add3A_308 = arith.constant 15 : i32
          %add3A_309 = arith.addi %mul3A_307, %add3A_308 : i32
          %dma_start3A_310 = arith.constant 0 : i32
          %dma_start3A_311 = tpu.memref_slice %arg7[%add3A_309, %dma_start3A_310] : memref<320x64xf32, #tpu.memory_space<vmem>> -> memref<1x64xf32, #tpu.memory_space<vmem>>
          %dma_start3A_312 = arith.constant 0 : i32
          %dma_start3A_313 = tpu.memref_slice %arg3[%squeeze3A_305, %dma_start3A_312] : memref<1000000x64xf32, #tpu.memory_space<hbm>> -> memref<1x64xf32, #tpu.memory_space<hbm>>
          %dma_start3A_314 = arith.constant 0 : i32
          %dma_start3A_315 = tpu.memref_slice %arg7[%add3A_309, %dma_start3A_314] : memref<320x64xf32, #tpu.memory_space<vmem>> -> memref<1x64xf32, #tpu.memory_space<vmem>>
          %dma_start3A_316 = arith.constant 0 : i32
          %dma_start3A_317 = tpu.memref_slice %arg3[%squeeze3A_305, %dma_start3A_316] : memref<1000000x64xf32, #tpu.memory_space<hbm>> -> memref<1x64xf32, #tpu.memory_space<hbm>>
          tpu.enqueue_dma source(%dma_start3A_317 : memref<1x64xf32, #tpu.memory_space<hbm>>) target(%dma_start3A_315 : memref<1x64xf32, #tpu.memory_space<vmem>>) target_semaphore(%arg9 : memref<!tpu.dma_semaphore, #tpu.memory_space<semaphore_mem>>)
          %scan3A_318 = arith.constant 0 : i32
          scf.yield %scan3A_318 : i32
        }
        %scan3A_86 = arith.constant 20 : i32
      } else {
      }
      %dma_wait3A_37 = arith.constant 0 : i32
      %dma_wait3A_38 = arith.constant 0 : i32
      %dma_wait3A_39 = tpu.memref_slice %arg3[%dma_wait3A_37, %dma_wait3A_38] : memref<1000000x64xf32, #tpu.memory_space<hbm>> -> memref<320x64xf32, #tpu.memory_space<hbm>>
      %dma_wait3A_40 = arith.constant 0 : i32
      %dma_wait3A_41 = arith.constant 0 : i32
      %dma_wait3A_42 = tpu.memref_slice %arg3[%dma_wait3A_40, %dma_wait3A_41] : memref<1000000x64xf32, #tpu.memory_space<hbm>> -> memref<320x64xf32, #tpu.memory_space<hbm>>
      tpu.wait_dma2 semaphore(%arg8 : memref<!tpu.dma_semaphore, #tpu.memory_space<semaphore_mem>>) src(%dma_wait3A_42 : memref<320x64xf32, #tpu.memory_space<hbm>>) dst(%arg6 : memref<320x64xf32, #tpu.memory_space<vmem>>)
      %mul3A_43 = arith.constant 320 : i32
      %mul3A_44 = arith.muli %add3A_32, %mul3A_43 : i32
      %add3A_45 = arith.addi %mul3A_2, %mul3A_44 : i32
      %dma_start3A = arith.constant 0 : i32
      %dma_start3A_46 = tpu.memref_slice %arg4[%add3A_45, %dma_start3A] : memref<819200x64xf32, #tpu.memory_space<hbm>> -> memref<320x64xf32, #tpu.memory_space<hbm>>
      %dma_start3A_47 = arith.constant 0 : i32
      %dma_start3A_48 = tpu.memref_slice %arg4[%add3A_45, %dma_start3A_47] : memref<819200x64xf32, #tpu.memory_space<hbm>> -> memref<320x64xf32, #tpu.memory_space<hbm>>
      tpu.enqueue_dma source(%arg6 : memref<320x64xf32, #tpu.memory_space<vmem>>) target(%dma_start3A_48 : memref<320x64xf32, #tpu.memory_space<hbm>>) target_semaphore(%arg10 : memref<!tpu.dma_semaphore, #tpu.memory_space<semaphore_mem>>)
      %mul3A_49 = arith.constant 2 : i32
      %mul3A_50 = arith.muli %mul3A_49, %scan3A_27 : i32
      %add3A_51 = arith.constant 1 : i32
      %add3A_52 = arith.addi %mul3A_50, %add3A_51 : i32
      %add3A_53 = arith.constant 1 : i32
      %add3A_54 = arith.addi %add3A_52, %add3A_53 : i32
      %lt3A_55 = arith.constant 80 : i32
      %lt3A_56 = arith.cmpi slt, %add3A_54, %lt3A_55 : i32
      %convert_element_type3A_57 = arith.extui %lt3A_56 : i1 to i32
      %cond3A_58 = arith.constant 0 : i32
      %cond3A_59 = arith.cmpi ne, %convert_element_type3A_57, %cond3A_58 : i32
      scf.if %cond3A_59 {
        %ge3A = arith.constant 1 : i32
        %ge3A_74 = arith.cmpi sge, %add3A_52, %ge3A : i32
        %convert_element_type3A_75 = arith.extui %ge3A_74 : i1 to i32
        %cond3A_76 = arith.constant 0 : i32
        %cond3A_77 = arith.cmpi ne, %convert_element_type3A_75, %cond3A_76 : i32
        scf.if %cond3A_77 {
          %mul3A_87 = arith.constant 320 : i32
          %mul3A_88 = arith.muli %add3A_52, %mul3A_87 : i32
          %add3A_89 = arith.addi %mul3A_2, %mul3A_88 : i32
          %dma_wait3A_90 = arith.constant 0 : i32
          %dma_wait3A_91 = tpu.memref_slice %arg4[%add3A_89, %dma_wait3A_90] : memref<819200x64xf32, #tpu.memory_space<hbm>> -> memref<320x64xf32, #tpu.memory_space<hbm>>
          %dma_wait3A_92 = arith.constant 0 : i32
          %dma_wait3A_93 = tpu.memref_slice %arg4[%add3A_89, %dma_wait3A_92] : memref<819200x64xf32, #tpu.memory_space<hbm>> -> memref<320x64xf32, #tpu.memory_space<hbm>>
          tpu.wait_dma2 semaphore(%arg10 : memref<!tpu.dma_semaphore, #tpu.memory_space<semaphore_mem>>) src(%arg6 : memref<320x64xf32, #tpu.memory_space<vmem>>) dst(%dma_wait3A_93 : memref<320x64xf32, #tpu.memory_space<hbm>>)
        } else {
        }
        %add3A_78 = arith.constant 1 : i32
        %add3A_79 = arith.addi %add3A_52, %add3A_78 : i32
        %scan3A_80 = arith.constant 0 : i32
        %scan3A_81 = arith.constant 0 : i32
        %scan3A_82 = arith.constant 20 : i32
        %scan3A_83 = arith.addi %scan3A_81, %scan3A_82 : i32
        %scan3A_84 = arith.constant 1 : i32
        %scan3A_85 = scf.for %scan3A_87 = %scan3A_81 to %scan3A_83 step %scan3A_84 iter_args(%scan3A_88 = %scan3A_80) -> (i32)  : i32 {
          %mul3A_89 = arith.constant 320 : i32
          %mul3A_90 = arith.muli %add3A_79, %mul3A_89 : i32
          %mul3A_91 = arith.constant 16 : i32
          %mul3A_92 = arith.muli %scan3A_87, %mul3A_91 : i32
          %add3A_93 = arith.addi %mul3A_90, %mul3A_92 : i32
          %get3A = arith.index_cast %add3A_93 : i32 to index
          %get3A_94 = tpu.vector_load %arg5[%get3A] {strides = array<i32>} : memref<25600xi32, #tpu.memory_space<vmem>>, vector<16xi32>,
          %get3A_95 = vector.shape_cast %get3A_94 : vector<16xi32> to vector<16xi32>
          %slice3A = vector.extract_strided_slice %get3A_95 {offsets = [0], sizes = [1], strides = [1]} : vector<16xi32> to vector<1xi32>
          %squeeze3A = vector.extract %slice3A[0] : i32 from vector<1xi32>
          %mul3A_96 = arith.constant 16 : i32
          %mul3A_97 = arith.muli %scan3A_87, %mul3A_96 : i32
          %add3A_98 = arith.constant 0 : i32
          %add3A_99 = arith.addi %mul3A_97, %add3A_98 : i32
          %dma_start3A_100 = arith.constant 0 : i32
          %dma_start3A_101 = tpu.memref_slice %arg6[%add3A_99, %dma_start3A_100] : memref<320x64xf32, #tpu.memory_space<vmem>> -> memref<1x64xf32, #tpu.memory_space<vmem>>
          %dma_start3A_102 = arith.constant 0 : i32
          %dma_start3A_103 = tpu.memref_slice %arg3[%squeeze3A, %dma_start3A_102] : memref<1000000x64xf32, #tpu.memory_space<hbm>> -> memref<1x64xf32, #tpu.memory_space<hbm>>
          %dma_start3A_104 = arith.constant 0 : i32
          %dma_start3A_105 = tpu.memref_slice %arg6[%add3A_99, %dma_start3A_104] : memref<320x64xf32, #tpu.memory_space<vmem>> -> memref<1x64xf32, #tpu.memory_space<vmem>>
          %dma_start3A_106 = arith.constant 0 : i32
          %dma_start3A_107 = tpu.memref_slice %arg3[%squeeze3A, %dma_start3A_106] : memref<1000000x64xf32, #tpu.memory_space<hbm>> -> memref<1x64xf32, #tpu.memory_space<hbm>>
          tpu.enqueue_dma source(%dma_start3A_107 : memref<1x64xf32, #tpu.memory_space<hbm>>) target(%dma_start3A_105 : memref<1x64xf32, #tpu.memory_space<vmem>>) target_semaphore(%arg8 : memref<!tpu.dma_semaphore, #tpu.memory_space<semaphore_mem>>)
          %slice3A_108 = vector.extract_strided_slice %get3A_95 {offsets = [1], sizes = [1], strides = [1]} : vector<16xi32> to vector<1xi32>
          %squeeze3A_109 = vector.extract %slice3A_108[0] : i32 from vector<1xi32>
          %mul3A_110 = arith.constant 16 : i32
          %mul3A_111 = arith.muli %scan3A_87, %mul3A_110 : i32
          %add3A_112 = arith.constant 1 : i32
          %add3A_113 = arith.addi %mul3A_111, %add3A_112 : i32
          %dma_start3A_114 = arith.constant 0 : i32
          %dma_start3A_115 = tpu.memref_slice %arg6[%add3A_113, %dma_start3A_114] : memref<320x64xf32, #tpu.memory_space<vmem>> -> memref<1x64xf32, #tpu.memory_space<vmem>>
          %dma_start3A_116 = arith.constant 0 : i32
          %dma_start3A_117 = tpu.memref_slice %arg3[%squeeze3A_109, %dma_start3A_116] : memref<1000000x64xf32, #tpu.memory_space<hbm>> -> memref<1x64xf32, #tpu.memory_space<hbm>>
          %dma_start3A_118 = arith.constant 0 : i32
          %dma_start3A_119 = tpu.memref_slice %arg6[%add3A_113, %dma_start3A_118] : memref<320x64xf32, #tpu.memory_space<vmem>> -> memref<1x64xf32, #tpu.memory_space<vmem>>
          %dma_start3A_120 = arith.constant 0 : i32
          %dma_start3A_121 = tpu.memref_slice %arg3[%squeeze3A_109, %dma_start3A_120] : memref<1000000x64xf32, #tpu.memory_space<hbm>> -> memref<1x64xf32, #tpu.memory_space<hbm>>
          tpu.enqueue_dma source(%dma_start3A_121 : memref<1x64xf32, #tpu.memory_space<hbm>>) target(%dma_start3A_119 : memref<1x64xf32, #tpu.memory_space<vmem>>) target_semaphore(%arg8 : memref<!tpu.dma_semaphore, #tpu.memory_space<semaphore_mem>>)
          %slice3A_122 = vector.extract_strided_slice %get3A_95 {offsets = [2], sizes = [1], strides = [1]} : vector<16xi32> to vector<1xi32>
          %squeeze3A_123 = vector.extract %slice3A_122[0] : i32 from vector<1xi32>
          %mul3A_124 = arith.constant 16 : i32
          %mul3A_125 = arith.muli %scan3A_87, %mul3A_124 : i32
          %add3A_126 = arith.constant 2 : i32
          %add3A_127 = arith.addi %mul3A_125, %add3A_126 : i32
          %dma_start3A_128 = arith.constant 0 : i32
          %dma_start3A_129 = tpu.memref_slice %arg6[%add3A_127, %dma_start3A_128] : memref<320x64xf32, #tpu.memory_space<vmem>> -> memref<1x64xf32, #tpu.memory_space<vmem>>
          %dma_start3A_130 = arith.constant 0 : i32
          %dma_start3A_131 = tpu.memref_slice %arg3[%squeeze3A_123, %dma_start3A_130] : memref<1000000x64xf32, #tpu.memory_space<hbm>> -> memref<1x64xf32, #tpu.memory_space<hbm>>
          %dma_start3A_132 = arith.constant 0 : i32
          %dma_start3A_133 = tpu.memref_slice %arg6[%add3A_127, %dma_start3A_132] : memref<320x64xf32, #tpu.memory_space<vmem>> -> memref<1x64xf32, #tpu.memory_space<vmem>>
          %dma_start3A_134 = arith.constant 0 : i32
          %dma_start3A_135 = tpu.memref_slice %arg3[%squeeze3A_123, %dma_start3A_134] : memref<1000000x64xf32, #tpu.memory_space<hbm>> -> memref<1x64xf32, #tpu.memory_space<hbm>>
          tpu.enqueue_dma source(%dma_start3A_135 : memref<1x64xf32, #tpu.memory_space<hbm>>) target(%dma_start3A_133 : memref<1x64xf32, #tpu.memory_space<vmem>>) target_semaphore(%arg8 : memref<!tpu.dma_semaphore, #tpu.memory_space<semaphore_mem>>)
          %slice3A_136 = vector.extract_strided_slice %get3A_95 {offsets = [3], sizes = [1], strides = [1]} : vector<16xi32> to vector<1xi32>
          %squeeze3A_137 = vector.extract %slice3A_136[0] : i32 from vector<1xi32>
          %mul3A_138 = arith.constant 16 : i32
          %mul3A_139 = arith.muli %scan3A_87, %mul3A_138 : i32
          %add3A_140 = arith.constant 3 : i32
          %add3A_141 = arith.addi %mul3A_139, %add3A_140 : i32
          %dma_start3A_142 = arith.constant 0 : i32
          %dma_start3A_143 = tpu.memref_slice %arg6[%add3A_141, %dma_start3A_142] : memref<320x64xf32, #tpu.memory_space<vmem>> -> memref<1x64xf32, #tpu.memory_space<vmem>>
          %dma_start3A_144 = arith.constant 0 : i32
          %dma_start3A_145 = tpu.memref_slice %arg3[%squeeze3A_137, %dma_start3A_144] : memref<1000000x64xf32, #tpu.memory_space<hbm>> -> memref<1x64xf32, #tpu.memory_space<hbm>>
          %dma_start3A_146 = arith.constant 0 : i32
          %dma_start3A_147 = tpu.memref_slice %arg6[%add3A_141, %dma_start3A_146] : memref<320x64xf32, #tpu.memory_space<vmem>> -> memref<1x64xf32, #tpu.memory_space<vmem>>
          %dma_start3A_148 = arith.constant 0 : i32
          %dma_start3A_149 = tpu.memref_slice %arg3[%squeeze3A_137, %dma_start3A_148] : memref<1000000x64xf32, #tpu.memory_space<hbm>> -> memref<1x64xf32, #tpu.memory_space<hbm>>
          tpu.enqueue_dma source(%dma_start3A_149 : memref<1x64xf32, #tpu.memory_space<hbm>>) target(%dma_start3A_147 : memref<1x64xf32, #tpu.memory_space<vmem>>) target_semaphore(%arg8 : memref<!tpu.dma_semaphore, #tpu.memory_space<semaphore_mem>>)
          %slice3A_150 = vector.extract_strided_slice %get3A_95 {offsets = [4], sizes = [1], strides = [1]} : vector<16xi32> to vector<1xi32>
          %squeeze3A_151 = vector.extract %slice3A_150[0] : i32 from vector<1xi32>
          %mul3A_152 = arith.constant 16 : i32
          %mul3A_153 = arith.muli %scan3A_87, %mul3A_152 : i32
          %add3A_154 = arith.constant 4 : i32
          %add3A_155 = arith.addi %mul3A_153, %add3A_154 : i32
          %dma_start3A_156 = arith.constant 0 : i32
          %dma_start3A_157 = tpu.memref_slice %arg6[%add3A_155, %dma_start3A_156] : memref<320x64xf32, #tpu.memory_space<vmem>> -> memref<1x64xf32, #tpu.memory_space<vmem>>
          %dma_start3A_158 = arith.constant 0 : i32
          %dma_start3A_159 = tpu.memref_slice %arg3[%squeeze3A_151, %dma_start3A_158] : memref<1000000x64xf32, #tpu.memory_space<hbm>> -> memref<1x64xf32, #tpu.memory_space<hbm>>
          %dma_start3A_160 = arith.constant 0 : i32
          %dma_start3A_161 = tpu.memref_slice %arg6[%add3A_155, %dma_start3A_160] : memref<320x64xf32, #tpu.memory_space<vmem>> -> memref<1x64xf32, #tpu.memory_space<vmem>>
          %dma_start3A_162 = arith.constant 0 : i32
          %dma_start3A_163 = tpu.memref_slice %arg3[%squeeze3A_151, %dma_start3A_162] : memref<1000000x64xf32, #tpu.memory_space<hbm>> -> memref<1x64xf32, #tpu.memory_space<hbm>>
          tpu.enqueue_dma source(%dma_start3A_163 : memref<1x64xf32, #tpu.memory_space<hbm>>) target(%dma_start3A_161 : memref<1x64xf32, #tpu.memory_space<vmem>>) target_semaphore(%arg8 : memref<!tpu.dma_semaphore, #tpu.memory_space<semaphore_mem>>)
          %slice3A_164 = vector.extract_strided_slice %get3A_95 {offsets = [5], sizes = [1], strides = [1]} : vector<16xi32> to vector<1xi32>
          %squeeze3A_165 = vector.extract %slice3A_164[0] : i32 from vector<1xi32>
          %mul3A_166 = arith.constant 16 : i32
          %mul3A_167 = arith.muli %scan3A_87, %mul3A_166 : i32
          %add3A_168 = arith.constant 5 : i32
          %add3A_169 = arith.addi %mul3A_167, %add3A_168 : i32
          %dma_start3A_170 = arith.constant 0 : i32
          %dma_start3A_171 = tpu.memref_slice %arg6[%add3A_169, %dma_start3A_170] : memref<320x64xf32, #tpu.memory_space<vmem>> -> memref<1x64xf32, #tpu.memory_space<vmem>>
          %dma_start3A_172 = arith.constant 0 : i32
          %dma_start3A_173 = tpu.memref_slice %arg3[%squeeze3A_165, %dma_start3A_172] : memref<1000000x64xf32, #tpu.memory_space<hbm>> -> memref<1x64xf32, #tpu.memory_space<hbm>>
          %dma_start3A_174 = arith.constant 0 : i32
          %dma_start3A_175 = tpu.memref_slice %arg6[%add3A_169, %dma_start3A_174] : memref<320x64xf32, #tpu.memory_space<vmem>> -> memref<1x64xf32, #tpu.memory_space<vmem>>
          %dma_start3A_176 = arith.constant 0 : i32
          %dma_start3A_177 = tpu.memref_slice %arg3[%squeeze3A_165, %dma_start3A_176] : memref<1000000x64xf32, #tpu.memory_space<hbm>> -> memref<1x64xf32, #tpu.memory_space<hbm>>
          tpu.enqueue_dma source(%dma_start3A_177 : memref<1x64xf32, #tpu.memory_space<hbm>>) target(%dma_start3A_175 : memref<1x64xf32, #tpu.memory_space<vmem>>) target_semaphore(%arg8 : memref<!tpu.dma_semaphore, #tpu.memory_space<semaphore_mem>>)
          %slice3A_178 = vector.extract_strided_slice %get3A_95 {offsets = [6], sizes = [1], strides = [1]} : vector<16xi32> to vector<1xi32>
          %squeeze3A_179 = vector.extract %slice3A_178[0] : i32 from vector<1xi32>
          %mul3A_180 = arith.constant 16 : i32
          %mul3A_181 = arith.muli %scan3A_87, %mul3A_180 : i32
          %add3A_182 = arith.constant 6 : i32
          %add3A_183 = arith.addi %mul3A_181, %add3A_182 : i32
          %dma_start3A_184 = arith.constant 0 : i32
          %dma_start3A_185 = tpu.memref_slice %arg6[%add3A_183, %dma_start3A_184] : memref<320x64xf32, #tpu.memory_space<vmem>> -> memref<1x64xf32, #tpu.memory_space<vmem>>
          %dma_start3A_186 = arith.constant 0 : i32
          %dma_start3A_187 = tpu.memref_slice %arg3[%squeeze3A_179, %dma_start3A_186] : memref<1000000x64xf32, #tpu.memory_space<hbm>> -> memref<1x64xf32, #tpu.memory_space<hbm>>
          %dma_start3A_188 = arith.constant 0 : i32
          %dma_start3A_189 = tpu.memref_slice %arg6[%add3A_183, %dma_start3A_188] : memref<320x64xf32, #tpu.memory_space<vmem>> -> memref<1x64xf32, #tpu.memory_space<vmem>>
          %dma_start3A_190 = arith.constant 0 : i32
          %dma_start3A_191 = tpu.memref_slice %arg3[%squeeze3A_179, %dma_start3A_190] : memref<1000000x64xf32, #tpu.memory_space<hbm>> -> memref<1x64xf32, #tpu.memory_space<hbm>>
          tpu.enqueue_dma source(%dma_start3A_191 : memref<1x64xf32, #tpu.memory_space<hbm>>) target(%dma_start3A_189 : memref<1x64xf32, #tpu.memory_space<vmem>>) target_semaphore(%arg8 : memref<!tpu.dma_semaphore, #tpu.memory_space<semaphore_mem>>)
          %slice3A_192 = vector.extract_strided_slice %get3A_95 {offsets = [7], sizes = [1], strides = [1]} : vector<16xi32> to vector<1xi32>
          %squeeze3A_193 = vector.extract %slice3A_192[0] : i32 from vector<1xi32>
          %mul3A_194 = arith.constant 16 : i32
          %mul3A_195 = arith.muli %scan3A_87, %mul3A_194 : i32
          %add3A_196 = arith.constant 7 : i32
          %add3A_197 = arith.addi %mul3A_195, %add3A_196 : i32
          %dma_start3A_198 = arith.constant 0 : i32
          %dma_start3A_199 = tpu.memref_slice %arg6[%add3A_197, %dma_start3A_198] : memref<320x64xf32, #tpu.memory_space<vmem>> -> memref<1x64xf32, #tpu.memory_space<vmem>>
          %dma_start3A_200 = arith.constant 0 : i32
          %dma_start3A_201 = tpu.memref_slice %arg3[%squeeze3A_193, %dma_start3A_200] : memref<1000000x64xf32, #tpu.memory_space<hbm>> -> memref<1x64xf32, #tpu.memory_space<hbm>>
          %dma_start3A_202 = arith.constant 0 : i32
          %dma_start3A_203 = tpu.memref_slice %arg6[%add3A_197, %dma_start3A_202] : memref<320x64xf32, #tpu.memory_space<vmem>> -> memref<1x64xf32, #tpu.memory_space<vmem>>
          %dma_start3A_204 = arith.constant 0 : i32
          %dma_start3A_205 = tpu.memref_slice %arg3[%squeeze3A_193, %dma_start3A_204] : memref<1000000x64xf32, #tpu.memory_space<hbm>> -> memref<1x64xf32, #tpu.memory_space<hbm>>
          tpu.enqueue_dma source(%dma_start3A_205 : memref<1x64xf32, #tpu.memory_space<hbm>>) target(%dma_start3A_203 : memref<1x64xf32, #tpu.memory_space<vmem>>) target_semaphore(%arg8 : memref<!tpu.dma_semaphore, #tpu.memory_space<semaphore_mem>>)
          %slice3A_206 = vector.extract_strided_slice %get3A_95 {offsets = [8], sizes = [1], strides = [1]} : vector<16xi32> to vector<1xi32>
          %squeeze3A_207 = vector.extract %slice3A_206[0] : i32 from vector<1xi32>
          %mul3A_208 = arith.constant 16 : i32
          %mul3A_209 = arith.muli %scan3A_87, %mul3A_208 : i32
          %add3A_210 = arith.constant 8 : i32
          %add3A_211 = arith.addi %mul3A_209, %add3A_210 : i32
          %dma_start3A_212 = arith.constant 0 : i32
          %dma_start3A_213 = tpu.memref_slice %arg6[%add3A_211, %dma_start3A_212] : memref<320x64xf32, #tpu.memory_space<vmem>> -> memref<1x64xf32, #tpu.memory_space<vmem>>
          %dma_start3A_214 = arith.constant 0 : i32
          %dma_start3A_215 = tpu.memref_slice %arg3[%squeeze3A_207, %dma_start3A_214] : memref<1000000x64xf32, #tpu.memory_space<hbm>> -> memref<1x64xf32, #tpu.memory_space<hbm>>
          %dma_start3A_216 = arith.constant 0 : i32
          %dma_start3A_217 = tpu.memref_slice %arg6[%add3A_211, %dma_start3A_216] : memref<320x64xf32, #tpu.memory_space<vmem>> -> memref<1x64xf32, #tpu.memory_space<vmem>>
          %dma_start3A_218 = arith.constant 0 : i32
          %dma_start3A_219 = tpu.memref_slice %arg3[%squeeze3A_207, %dma_start3A_218] : memref<1000000x64xf32, #tpu.memory_space<hbm>> -> memref<1x64xf32, #tpu.memory_space<hbm>>
          tpu.enqueue_dma source(%dma_start3A_219 : memref<1x64xf32, #tpu.memory_space<hbm>>) target(%dma_start3A_217 : memref<1x64xf32, #tpu.memory_space<vmem>>) target_semaphore(%arg8 : memref<!tpu.dma_semaphore, #tpu.memory_space<semaphore_mem>>)
          %slice3A_220 = vector.extract_strided_slice %get3A_95 {offsets = [9], sizes = [1], strides = [1]} : vector<16xi32> to vector<1xi32>
          %squeeze3A_221 = vector.extract %slice3A_220[0] : i32 from vector<1xi32>
          %mul3A_222 = arith.constant 16 : i32
          %mul3A_223 = arith.muli %scan3A_87, %mul3A_222 : i32
          %add3A_224 = arith.constant 9 : i32
          %add3A_225 = arith.addi %mul3A_223, %add3A_224 : i32
          %dma_start3A_226 = arith.constant 0 : i32
          %dma_start3A_227 = tpu.memref_slice %arg6[%add3A_225, %dma_start3A_226] : memref<320x64xf32, #tpu.memory_space<vmem>> -> memref<1x64xf32, #tpu.memory_space<vmem>>
          %dma_start3A_228 = arith.constant 0 : i32
          %dma_start3A_229 = tpu.memref_slice %arg3[%squeeze3A_221, %dma_start3A_228] : memref<1000000x64xf32, #tpu.memory_space<hbm>> -> memref<1x64xf32, #tpu.memory_space<hbm>>
          %dma_start3A_230 = arith.constant 0 : i32
          %dma_start3A_231 = tpu.memref_slice %arg6[%add3A_225, %dma_start3A_230] : memref<320x64xf32, #tpu.memory_space<vmem>> -> memref<1x64xf32, #tpu.memory_space<vmem>>
          %dma_start3A_232 = arith.constant 0 : i32
          %dma_start3A_233 = tpu.memref_slice %arg3[%squeeze3A_221, %dma_start3A_232] : memref<1000000x64xf32, #tpu.memory_space<hbm>> -> memref<1x64xf32, #tpu.memory_space<hbm>>
          tpu.enqueue_dma source(%dma_start3A_233 : memref<1x64xf32, #tpu.memory_space<hbm>>) target(%dma_start3A_231 : memref<1x64xf32, #tpu.memory_space<vmem>>) target_semaphore(%arg8 : memref<!tpu.dma_semaphore, #tpu.memory_space<semaphore_mem>>)
          %slice3A_234 = vector.extract_strided_slice %get3A_95 {offsets = [10], sizes = [1], strides = [1]} : vector<16xi32> to vector<1xi32>
          %squeeze3A_235 = vector.extract %slice3A_234[0] : i32 from vector<1xi32>
          %mul3A_236 = arith.constant 16 : i32
          %mul3A_237 = arith.muli %scan3A_87, %mul3A_236 : i32
          %add3A_238 = arith.constant 10 : i32
          %add3A_239 = arith.addi %mul3A_237, %add3A_238 : i32
          %dma_start3A_240 = arith.constant 0 : i32
          %dma_start3A_241 = tpu.memref_slice %arg6[%add3A_239, %dma_start3A_240] : memref<320x64xf32, #tpu.memory_space<vmem>> -> memref<1x64xf32, #tpu.memory_space<vmem>>
          %dma_start3A_242 = arith.constant 0 : i32
          %dma_start3A_243 = tpu.memref_slice %arg3[%squeeze3A_235, %dma_start3A_242] : memref<1000000x64xf32, #tpu.memory_space<hbm>> -> memref<1x64xf32, #tpu.memory_space<hbm>>
          %dma_start3A_244 = arith.constant 0 : i32
          %dma_start3A_245 = tpu.memref_slice %arg6[%add3A_239, %dma_start3A_244] : memref<320x64xf32, #tpu.memory_space<vmem>> -> memref<1x64xf32, #tpu.memory_space<vmem>>
          %dma_start3A_246 = arith.constant 0 : i32
          %dma_start3A_247 = tpu.memref_slice %arg3[%squeeze3A_235, %dma_start3A_246] : memref<1000000x64xf32, #tpu.memory_space<hbm>> -> memref<1x64xf32, #tpu.memory_space<hbm>>
          tpu.enqueue_dma source(%dma_start3A_247 : memref<1x64xf32, #tpu.memory_space<hbm>>) target(%dma_start3A_245 : memref<1x64xf32, #tpu.memory_space<vmem>>) target_semaphore(%arg8 : memref<!tpu.dma_semaphore, #tpu.memory_space<semaphore_mem>>)
          %slice3A_248 = vector.extract_strided_slice %get3A_95 {offsets = [11], sizes = [1], strides = [1]} : vector<16xi32> to vector<1xi32>
          %squeeze3A_249 = vector.extract %slice3A_248[0] : i32 from vector<1xi32>
          %mul3A_250 = arith.constant 16 : i32
          %mul3A_251 = arith.muli %scan3A_87, %mul3A_250 : i32
          %add3A_252 = arith.constant 11 : i32
          %add3A_253 = arith.addi %mul3A_251, %add3A_252 : i32
          %dma_start3A_254 = arith.constant 0 : i32
          %dma_start3A_255 = tpu.memref_slice %arg6[%add3A_253, %dma_start3A_254] : memref<320x64xf32, #tpu.memory_space<vmem>> -> memref<1x64xf32, #tpu.memory_space<vmem>>
          %dma_start3A_256 = arith.constant 0 : i32
          %dma_start3A_257 = tpu.memref_slice %arg3[%squeeze3A_249, %dma_start3A_256] : memref<1000000x64xf32, #tpu.memory_space<hbm>> -> memref<1x64xf32, #tpu.memory_space<hbm>>
          %dma_start3A_258 = arith.constant 0 : i32
          %dma_start3A_259 = tpu.memref_slice %arg6[%add3A_253, %dma_start3A_258] : memref<320x64xf32, #tpu.memory_space<vmem>> -> memref<1x64xf32, #tpu.memory_space<vmem>>
          %dma_start3A_260 = arith.constant 0 : i32
          %dma_start3A_261 = tpu.memref_slice %arg3[%squeeze3A_249, %dma_start3A_260] : memref<1000000x64xf32, #tpu.memory_space<hbm>> -> memref<1x64xf32, #tpu.memory_space<hbm>>
          tpu.enqueue_dma source(%dma_start3A_261 : memref<1x64xf32, #tpu.memory_space<hbm>>) target(%dma_start3A_259 : memref<1x64xf32, #tpu.memory_space<vmem>>) target_semaphore(%arg8 : memref<!tpu.dma_semaphore, #tpu.memory_space<semaphore_mem>>)
          %slice3A_262 = vector.extract_strided_slice %get3A_95 {offsets = [12], sizes = [1], strides = [1]} : vector<16xi32> to vector<1xi32>
          %squeeze3A_263 = vector.extract %slice3A_262[0] : i32 from vector<1xi32>
          %mul3A_264 = arith.constant 16 : i32
          %mul3A_265 = arith.muli %scan3A_87, %mul3A_264 : i32
          %add3A_266 = arith.constant 12 : i32
          %add3A_267 = arith.addi %mul3A_265, %add3A_266 : i32
          %dma_start3A_268 = arith.constant 0 : i32
          %dma_start3A_269 = tpu.memref_slice %arg6[%add3A_267, %dma_start3A_268] : memref<320x64xf32, #tpu.memory_space<vmem>> -> memref<1x64xf32, #tpu.memory_space<vmem>>
          %dma_start3A_270 = arith.constant 0 : i32
          %dma_start3A_271 = tpu.memref_slice %arg3[%squeeze3A_263, %dma_start3A_270] : memref<1000000x64xf32, #tpu.memory_space<hbm>> -> memref<1x64xf32, #tpu.memory_space<hbm>>
          %dma_start3A_272 = arith.constant 0 : i32
          %dma_start3A_273 = tpu.memref_slice %arg6[%add3A_267, %dma_start3A_272] : memref<320x64xf32, #tpu.memory_space<vmem>> -> memref<1x64xf32, #tpu.memory_space<vmem>>
          %dma_start3A_274 = arith.constant 0 : i32
          %dma_start3A_275 = tpu.memref_slice %arg3[%squeeze3A_263, %dma_start3A_274] : memref<1000000x64xf32, #tpu.memory_space<hbm>> -> memref<1x64xf32, #tpu.memory_space<hbm>>
          tpu.enqueue_dma source(%dma_start3A_275 : memref<1x64xf32, #tpu.memory_space<hbm>>) target(%dma_start3A_273 : memref<1x64xf32, #tpu.memory_space<vmem>>) target_semaphore(%arg8 : memref<!tpu.dma_semaphore, #tpu.memory_space<semaphore_mem>>)
          %slice3A_276 = vector.extract_strided_slice %get3A_95 {offsets = [13], sizes = [1], strides = [1]} : vector<16xi32> to vector<1xi32>
          %squeeze3A_277 = vector.extract %slice3A_276[0] : i32 from vector<1xi32>
          %mul3A_278 = arith.constant 16 : i32
          %mul3A_279 = arith.muli %scan3A_87, %mul3A_278 : i32
          %add3A_280 = arith.constant 13 : i32
          %add3A_281 = arith.addi %mul3A_279, %add3A_280 : i32
          %dma_start3A_282 = arith.constant 0 : i32
          %dma_start3A_283 = tpu.memref_slice %arg6[%add3A_281, %dma_start3A_282] : memref<320x64xf32, #tpu.memory_space<vmem>> -> memref<1x64xf32, #tpu.memory_space<vmem>>
          %dma_start3A_284 = arith.constant 0 : i32
          %dma_start3A_285 = tpu.memref_slice %arg3[%squeeze3A_277, %dma_start3A_284] : memref<1000000x64xf32, #tpu.memory_space<hbm>> -> memref<1x64xf32, #tpu.memory_space<hbm>>
          %dma_start3A_286 = arith.constant 0 : i32
          %dma_start3A_287 = tpu.memref_slice %arg6[%add3A_281, %dma_start3A_286] : memref<320x64xf32, #tpu.memory_space<vmem>> -> memref<1x64xf32, #tpu.memory_space<vmem>>
          %dma_start3A_288 = arith.constant 0 : i32
          %dma_start3A_289 = tpu.memref_slice %arg3[%squeeze3A_277, %dma_start3A_288] : memref<1000000x64xf32, #tpu.memory_space<hbm>> -> memref<1x64xf32, #tpu.memory_space<hbm>>
          tpu.enqueue_dma source(%dma_start3A_289 : memref<1x64xf32, #tpu.memory_space<hbm>>) target(%dma_start3A_287 : memref<1x64xf32, #tpu.memory_space<vmem>>) target_semaphore(%arg8 : memref<!tpu.dma_semaphore, #tpu.memory_space<semaphore_mem>>)
          %slice3A_290 = vector.extract_strided_slice %get3A_95 {offsets = [14], sizes = [1], strides = [1]} : vector<16xi32> to vector<1xi32>
          %squeeze3A_291 = vector.extract %slice3A_290[0] : i32 from vector<1xi32>
          %mul3A_292 = arith.constant 16 : i32
          %mul3A_293 = arith.muli %scan3A_87, %mul3A_292 : i32
          %add3A_294 = arith.constant 14 : i32
          %add3A_295 = arith.addi %mul3A_293, %add3A_294 : i32
          %dma_start3A_296 = arith.constant 0 : i32
          %dma_start3A_297 = tpu.memref_slice %arg6[%add3A_295, %dma_start3A_296] : memref<320x64xf32, #tpu.memory_space<vmem>> -> memref<1x64xf32, #tpu.memory_space<vmem>>
          %dma_start3A_298 = arith.constant 0 : i32
          %dma_start3A_299 = tpu.memref_slice %arg3[%squeeze3A_291, %dma_start3A_298] : memref<1000000x64xf32, #tpu.memory_space<hbm>> -> memref<1x64xf32, #tpu.memory_space<hbm>>
          %dma_start3A_300 = arith.constant 0 : i32
          %dma_start3A_301 = tpu.memref_slice %arg6[%add3A_295, %dma_start3A_300] : memref<320x64xf32, #tpu.memory_space<vmem>> -> memref<1x64xf32, #tpu.memory_space<vmem>>
          %dma_start3A_302 = arith.constant 0 : i32
          %dma_start3A_303 = tpu.memref_slice %arg3[%squeeze3A_291, %dma_start3A_302] : memref<1000000x64xf32, #tpu.memory_space<hbm>> -> memref<1x64xf32, #tpu.memory_space<hbm>>
          tpu.enqueue_dma source(%dma_start3A_303 : memref<1x64xf32, #tpu.memory_space<hbm>>) target(%dma_start3A_301 : memref<1x64xf32, #tpu.memory_space<vmem>>) target_semaphore(%arg8 : memref<!tpu.dma_semaphore, #tpu.memory_space<semaphore_mem>>)
          %slice3A_304 = vector.extract_strided_slice %get3A_95 {offsets = [15], sizes = [1], strides = [1]} : vector<16xi32> to vector<1xi32>
          %squeeze3A_305 = vector.extract %slice3A_304[0] : i32 from vector<1xi32>
          %mul3A_306 = arith.constant 16 : i32
          %mul3A_307 = arith.muli %scan3A_87, %mul3A_306 : i32
          %add3A_308 = arith.constant 15 : i32
          %add3A_309 = arith.addi %mul3A_307, %add3A_308 : i32
          %dma_start3A_310 = arith.constant 0 : i32
          %dma_start3A_311 = tpu.memref_slice %arg6[%add3A_309, %dma_start3A_310] : memref<320x64xf32, #tpu.memory_space<vmem>> -> memref<1x64xf32, #tpu.memory_space<vmem>>
          %dma_start3A_312 = arith.constant 0 : i32
          %dma_start3A_313 = tpu.memref_slice %arg3[%squeeze3A_305, %dma_start3A_312] : memref<1000000x64xf32, #tpu.memory_space<hbm>> -> memref<1x64xf32, #tpu.memory_space<hbm>>
          %dma_start3A_314 = arith.constant 0 : i32
          %dma_start3A_315 = tpu.memref_slice %arg6[%add3A_309, %dma_start3A_314] : memref<320x64xf32, #tpu.memory_space<vmem>> -> memref<1x64xf32, #tpu.memory_space<vmem>>
          %dma_start3A_316 = arith.constant 0 : i32
          %dma_start3A_317 = tpu.memref_slice %arg3[%squeeze3A_305, %dma_start3A_316] : memref<1000000x64xf32, #tpu.memory_space<hbm>> -> memref<1x64xf32, #tpu.memory_space<hbm>>
          tpu.enqueue_dma source(%dma_start3A_317 : memref<1x64xf32, #tpu.memory_space<hbm>>) target(%dma_start3A_315 : memref<1x64xf32, #tpu.memory_space<vmem>>) target_semaphore(%arg8 : memref<!tpu.dma_semaphore, #tpu.memory_space<semaphore_mem>>)
          %scan3A_318 = arith.constant 0 : i32
          scf.yield %scan3A_318 : i32
        }
        %scan3A_86 = arith.constant 20 : i32
      } else {
      }
      %dma_wait3A_60 = arith.constant 0 : i32
      %dma_wait3A_61 = arith.constant 0 : i32
      %dma_wait3A_62 = tpu.memref_slice %arg3[%dma_wait3A_60, %dma_wait3A_61] : memref<1000000x64xf32, #tpu.memory_space<hbm>> -> memref<320x64xf32, #tpu.memory_space<hbm>>
      %dma_wait3A_63 = arith.constant 0 : i32
      %dma_wait3A_64 = arith.constant 0 : i32
      %dma_wait3A_65 = tpu.memref_slice %arg3[%dma_wait3A_63, %dma_wait3A_64] : memref<1000000x64xf32, #tpu.memory_space<hbm>> -> memref<320x64xf32, #tpu.memory_space<hbm>>
      tpu.wait_dma2 semaphore(%arg9 : memref<!tpu.dma_semaphore, #tpu.memory_space<semaphore_mem>>) src(%dma_wait3A_65 : memref<320x64xf32, #tpu.memory_space<hbm>>) dst(%arg7 : memref<320x64xf32, #tpu.memory_space<vmem>>)
      %mul3A_66 = arith.constant 320 : i32
      %mul3A_67 = arith.muli %add3A_52, %mul3A_66 : i32
      %add3A_68 = arith.addi %mul3A_2, %mul3A_67 : i32
      %dma_start3A_69 = arith.constant 0 : i32
      %dma_start3A_70 = tpu.memref_slice %arg4[%add3A_68, %dma_start3A_69] : memref<819200x64xf32, #tpu.memory_space<hbm>> -> memref<320x64xf32, #tpu.memory_space<hbm>>
      %dma_start3A_71 = arith.constant 0 : i32
      %dma_start3A_72 = tpu.memref_slice %arg4[%add3A_68, %dma_start3A_71] : memref<819200x64xf32, #tpu.memory_space<hbm>> -> memref<320x64xf32, #tpu.memory_space<hbm>>
      tpu.enqueue_dma source(%arg7 : memref<320x64xf32, #tpu.memory_space<vmem>>) target(%dma_start3A_72 : memref<320x64xf32, #tpu.memory_space<hbm>>) target_semaphore(%arg11 : memref<!tpu.dma_semaphore, #tpu.memory_space<semaphore_mem>>)
      %scan3A_73 = arith.constant 0 : i32
      scf.yield %scan3A_73 : i32
    }
    %scan3A_15 = arith.constant 40 : i32
    %add3A_16 = arith.constant 0 : i32
    %add3A_17 = arith.addi %mul3A_2, %add3A_16 : i32
    %dma_wait3A = arith.constant 0 : i32
    %dma_wait3A_18 = tpu.memref_slice %arg4[%add3A_17, %dma_wait3A] : memref<819200x64xf32, #tpu.memory_space<hbm>> -> memref<320x64xf32, #tpu.memory_space<hbm>>
    %dma_wait3A_19 = arith.constant 0 : i32
    %dma_wait3A_20 = tpu.memref_slice %arg4[%add3A_17, %dma_wait3A_19] : memref<819200x64xf32, #tpu.memory_space<hbm>> -> memref<320x64xf32, #tpu.memory_space<hbm>>
    tpu.wait_dma2 semaphore(%arg10 : memref<!tpu.dma_semaphore, #tpu.memory_space<semaphore_mem>>) src(%arg6 : memref<320x64xf32, #tpu.memory_space<vmem>>) dst(%dma_wait3A_20 : memref<320x64xf32, #tpu.memory_space<hbm>>)
    %add3A_21 = arith.constant 0 : i32
    %add3A_22 = arith.addi %mul3A_2, %add3A_21 : i32
    %dma_wait3A_23 = arith.constant 0 : i32
    %dma_wait3A_24 = tpu.memref_slice %arg4[%add3A_22, %dma_wait3A_23] : memref<819200x64xf32, #tpu.memory_space<hbm>> -> memref<320x64xf32, #tpu.memory_space<hbm>>
    %dma_wait3A_25 = arith.constant 0 : i32
    %dma_wait3A_26 = tpu.memref_slice %arg4[%add3A_22, %dma_wait3A_25] : memref<819200x64xf32, #tpu.memory_space<hbm>> -> memref<320x64xf32, #tpu.memory_space<hbm>>
    tpu.wait_dma2 semaphore(%arg11 : memref<!tpu.dma_semaphore, #tpu.memory_space<semaphore_mem>>) src(%arg7 : memref<320x64xf32, #tpu.memory_space<vmem>>) dst(%dma_wait3A_26 : memref<320x64xf32, #tpu.memory_space<hbm>>)
    return
  }
}

</mosaic_0001>

<sc_bundles>
// kernel: kernel.3.cloned.1.call-start
scs
__scs_entry_jumppad:
0x0: {  	(pc) =	sbr.rel $0x88, $3  }
0x1: {  	(tag) =	ssettag $0x0;
	lr =	simm.s32 $0x1  }
0x2: {  	[smem:$0x3F9F] =	sst lr;
	_ =	strace $0xD0000000  }
0x3: {  	_ = 	snop  }
0x4: {  	_ = 	snop  }
0x5: {  	_ = 	snop  }
0x6: {  	_ = 	snop  }
0x7: {  	_ = 	snop  }
__scs_overlays_trampoline_lowered:
0x8: {  	[smem:$0x3FAE] =	sst s0  }
0x9: {  	[smem:$0x3FAF] =	sst s1  }
0xa: {  	[smem:$0x3FB0] =	sst s2  }
0xb: {  	[smem:$0x3FB1] =	sst s3  }
0xc: {  	[smem:$0x3FB2] =	sst s4  }
0xd: {  	[smem:$0x3FB3] =	sst s5  }
0xe: {  	[smem:$0x3FB4] =	sst s6  }
0xf: {  	[smem:$0x3FB5] =	sst s7  }
0x10: {  	[smem:$0x3FB6] =	sst s8  }
0x11: {  	[smem:$0x3FB7] =	sst s9;
	s0 =	simm.s32 @!p0 $0x0  }
0x12: {  	s1 =	sld [smem:$0x3F9D];
	s0 =	simm.s32 @p0 $0x1  }
0x13: {  	[smem:$0x3FB8] =	sst s0;
	s0 =	simm.s32 @!p1 $0x0  }
0x14: {  	s2 =	sld [smem:$0x3F9C];
	s0 =	simm.s32 @p1 $0x1  }
0x15: {  	[smem:$0x3FB9] =	sst s0;
	s0 =	simm.s32 @!p2 $0x0  }
0x16: {  	s3 =	sld [smem:$0x3FDB];
	s0 =	simm.s32 @p2 $0x1  }
0x17: {  	s4 =	simm.s32 $0x1BF5;
	[smem:$0x3FBB] =	sst s0  }
0x18: {  	s0 =	sld [smem:$0x3F9E];
	_ =	swait.ge [sflag:s4], $0x0  }
0x19: {  	s7 =	sld [smem:$0x3F9F]  }
0x1a: {  	s8 =	sadd.s32 $0xFFFFE003, lr  }
0x1b: {  	s9 =	sadd.s32 $0xFFFFFEF7, lr;
	s5 =	simm.s32 $0xFFFFFFFF;
	p2 =	slt.u32 s8, $0xFFFFF086  }
0x1c: {  	p1 =	slt.u32 s9, $0xF7A;
	s5 =	simm.s32 @!p2 $0x0  }
0x1d: {  	s5 =	simm.s32 @p1 $0x1;
	p0 =	seq.s32 s7, s2  }
0x1e: {  	s7 =	smul.u32 @!p0 $0xF7A, s2;
	p2 =	seq.s32 @!p0 s5, $0x0  }
0x1f: {  	s9 =	smul.u32 $0xF7A, s1;
	s8 =	simm.s32 @!p0 $0x1BF5;
	p2 =	por !p2, p0  }
0x20: {  	[sflag:s8] =	ssyncset.s32 @!p0 $0xFFFFF086;
	s6 =	sadd.s32 @!p0 s3, s7;
	s7 =	simm.s32 @!p0 $0x108  }
0x21: {  	s3 =	sadd.s32 s3, s9;
	s6 =	sadd.s32 @!p0 $0x88, s6;
	s7 =	simm.s32 @p2 $0x1082  }
0x22: {  	[simem:s7], [sflag:s8] =	dma.local @!p0 [hbm:s6], $0xF7A  }
0x23: {  	s9 =	sor.u32 $0xD0000000, s2;
	s6 =	simm.s32 $0x108;
	_ =	swait.ge @!p0 [sflag:s8], $0x0  }
0x24: {  	s3 =	sadd.s32 $0x88, s3;
	s6 =	simm.s32 @!p1 $0x1082;
	[sflag:s4] =	ssyncset.s32 $0xFFFFF086  }
0x25: {  	[simem:s6], [sflag:s4] =	dma.local [hbm:s3], $0xF7A  }
0x26: {  	[smem:$0x3F9F] =	sst s1;
	(tag) =	ssettag s2;
	_ =	strace s9  }
0x27: {  	s1 =	sld [smem:$0x3FAF]  }
0x28: {  	s2 =	sld [smem:$0x3FB0]  }
0x29: {  	s4 =	sld [smem:$0x3FB2]  }
0x2a: {  	p0 =	seq.s32 s5, $0x0;
	s5 =	sld [smem:$0x3FB3]  }
0x2b: {  	s6 =	sld [smem:$0x3FB4]  }
0x2c: {  	s7 =	sld [smem:$0x3FB5]  }
0x2d: {  	s3 =	simm.s32 $0x108;
	s8 =	sld [smem:$0x3FB6]  }
0x2e: {  	s3 =	simm.s32 @!p0 $0x1082;
	s9 =	sld [smem:$0x3FB7]  }
0x2f: {  	lr =	sadd.s32 s0, s3;
	s0 =	sld [smem:$0x3FAE]  }
0x30: {  	s3 =	sld [smem:$0x3FB1]  }
0x31: {  	[smem:$0x3FBA] =	sst s10  }
0x32: {  	s10 =	sld [smem:$0x3FB8];
	_ =	sdelay $0x3  }
0x33: {  	p0 =	seq.s32 s10, $0x1;
	s10 =	sld [smem:$0x3FBA];
	_ =	sdelay $0x3  }
0x34: {  	[smem:$0x3FBA] =	sst s10  }
0x35: {  	s10 =	sld [smem:$0x3FB9];
	_ =	sdelay $0x3  }
0x36: {  	p1 =	seq.s32 s10, $0x1;
	s10 =	sld [smem:$0x3FBA];
	_ =	sdelay $0x3  }
0x37: {  	[smem:$0x3FBA] =	sst s10  }
0x38: {  	s10 =	sld [smem:$0x3FBB]  }
0x39: {  	_ = 	snop;
	(pc) =	sbr.ind lr, $3  }
0x3a: {  	_ = 	snop  }
0x3b: {  	_ = 	snop  }
0x3c: {  	p2 =	seq.s32 s10, $0x1;
	s10 =	sld [smem:$0x3FBA]  }
0x3d: {  	_ =	shalt  }
0x3e: {  	_ =	shalt  }
0x3f: {  	_ =	shalt  }
0x40: {  	_ =	shalt  }
0x41: {  	_ =	shalt  }
0x42: {  	_ =	shalt  }
0x43: {  	_ =	shalt  }
0x44: {  	_ =	shalt  }
0x45: {  	_ =	shalt  }
0x46: {  	_ =	shalt  }
0x47: {  	_ =	shalt  }
0x48: {  	_ =	shalt  }
0x49: {  	_ =	shalt  }
0x4a: {  	_ =	shalt  }
0x4b: {  	_ =	shalt  }
0x4c: {  	_ =	shalt  }
0x4d: {  	_ =	shalt  }
0x4e: {  	_ =	shalt  }
0x4f: {  	_ =	shalt  }
0x50: {  	_ =	shalt  }
0x51: {  	_ =	shalt  }
0x52: {  	_ =	shalt  }
0x53: {  	_ =	shalt  }
0x54: {  	_ =	shalt  }
0x55: {  	_ =	shalt  }
0x56: {  	_ =	shalt  }
0x57: {  	_ =	shalt  }
0x58: {  	_ =	shalt  }
0x59: {  	_ =	shalt  }
0x5a: {  	_ =	shalt  }
0x5b: {  	_ =	shalt  }
0x5c: {  	_ =	shalt  }
0x5d: {  	_ =	shalt  }
0x5e: {  	_ =	shalt  }
0x5f: {  	_ =	shalt  }
0x60: {  	_ =	shalt  }
0x61: {  	_ =	shalt  }
0x62: {  	_ =	shalt  }
0x63: {  	_ =	shalt  }
0x64: {  	_ =	shalt  }
0x65: {  	_ =	shalt  }
0x66: {  	_ =	shalt  }
0x67: {  	_ =	shalt  }
0x68: {  	_ =	shalt  }
0x69: {  	_ =	shalt  }
0x6a: {  	_ =	shalt  }
0x6b: {  	_ =	shalt  }
0x6c: {  	_ =	shalt  }
0x6d: {  	_ =	shalt  }
0x6e: {  	_ =	shalt  }
0x6f: {  	_ =	shalt  }
0x70: {  	_ =	shalt  }
0x71: {  	_ =	shalt  }
0x72: {  	_ =	shalt  }
0x73: {  	_ =	shalt  }
0x74: {  	_ =	shalt  }
0x75: {  	_ =	shalt  }
0x76: {  	_ =	shalt  }
0x77: {  	_ =	shalt  }
0x78: {  	_ =	shalt  }
0x79: {  	_ =	shalt  }
0x7a: {  	_ =	shalt  }
0x7b: {  	_ =	shalt  }
0x7c: {  	_ =	shalt  }
0x7d: {  	_ =	shalt  }
0x7e: {  	_ =	shalt  }
0x7f: {  	_ =	shalt  }
0x80: {  	_ =	shalt  }
0x81: {  	_ =	shalt  }
0x82: {  	_ =	shalt  }
0x83: {  	_ =	shalt  }
0x84: {  	_ =	shalt  }
0x85: {  	_ =	shalt  }
0x86: {  	_ =	shalt  }
0x87: {  	_ =	shalt  }
.Lfunc_end0:
.L_simem_size_0:
called_computation.1_lowered:
.L_overlay_start_0:
0x88: {  	s2 =	sld [smem:$0x3FD9]  }
0x89: {  	s3 =	sld [smem:$0x3FFE];
	_ =	sdelay $0x1  }
0x8a: {  	s1 =	srdreg.scid  }
0x8b: {  	s0 =	sand.u32 $0x1, s1  }
0x8c: {  	s17 =	sshll.u32 s0, $0xA;
	s2 =	sadd.s32 s3, s2  }
0x8d: {  	s2 =	sadd.s32 s2, s17  }
0x8e: {  	[smem:$0x3FC6] =	sst s2  }
0x8f: {  	_ = 	snop  }
0x90: {  	s2 =	sld [smem:$0x3FD0];
	(tm) =	ssettm $0x1  }
0x91: {  	s18 =	sld [smem:$0x3FFB];
	_ =	sdelay $0x3  }
0x92: {  	_ =	strace s18  }
0x93: {  	s3 =	sld [smem:$0x3FFC];
	_ =	sdelay $0x3  }
0x94: {  	_ =	strace s3  }
0x95: {  	s3 =	sld [smem:$0x3FFD];
	_ =	sdelay $0x3  }
0x96: {  	_ =	strace s3  }
0x97: {  	_ =	strace $0x8FFFFFFF  }
0x98: {  	s19 =	sld [smem:$0x3FDB];
	_ =	sdelay $0x1  }
0x99: {  	s4 =	simm.s32 $_scs_section_size  }
0x9a: {  	s5 =	simm.s32 $_size__tile_overlayer_lowered;
	s6 =	simm.s32 $_tile_overlayer_lowered  }
0x9b: {  	s22 =	simm.s32 $0x1BFF;
	s21 =	sshll.u32 s6, $0x1;
	s3 =	sadd.s32 s4, s19  }
0x9c: {  	s7 =	simm.s32 $0x0;
	s20 =	sshll.u32 s5, $0x1;
	s5 =	sadd.s32 s21, s3  }
0x9d: {  	[timem:s7], [sflag:s22] =	dma.local [hbm:s5], s20  }
0x9e: {  	_ =	swait.ge [sflag:s22], s20  }
0x9f: {  	s4 =	ssub.s32 $0x0, s20;
	[sflag:s22] =	ssyncset.done $0x0  }
0xa0: {  	[sflag:s22] =	ssyncadd.s32 s4;
	_ =	sdelay $0x1  }
0xa1: {  	s23 =	simm.s32 $0x1B8B  }
0xa2: {  	_ =	swait.ge [sflag:s23], $0x1  }
0xa3: {  	[sflag:s23] =	ssyncset.done $0x0  }
0xa4: {  	s25 =	simm.s32 $0x1B8E;
	s24 =	sld [smem:$0x3FFE];
	[sflag:s23] =	ssyncadd.s32 $0xFFFFFFFF  }
0xa5: {  	s26 =	simm.s32 $execute0_lowered;
	[smem:$0x3FD2] =	sst s25  }
0xa6: {  	s5 =	sshll.u32 s26, $0x1;
	_ =	strace $0x80000046;
	[dreg:$0x1] =	wrdreg $0xFFFFFFFF  }
0xa7: {  	s28 =	simm.s32 $_size_execute0_lowered;
	s3 =	sadd.s32 s3, s5;
	[dreg:$0x0] =	wrdreg $0x0  }
0xa8: {  	s5 =	sshll.u32 s28, $0x1;
	[dreg:$0x2] =	wrdreg s3  }
0xa9: {  	[dreg:$0x3] =	wrdreg s5  }
0xaa: {  	[dreg:$0x4] =	wrdreg $0xC0  }
0xab: {  	_ =	task [dreg:s7], $0x5FFFF  }
0xac: {  	[dreg:$0x1] =	wrdreg $0xFFFFFFFF  }
0xad: {  	[dreg:$0x0] =	wrdreg $0x60  }
0xae: {  	[dreg:$0x2] =	wrdreg s2  }
0xaf: {  	[dreg:$0x3] =	wrdreg s24  }
0xb0: {  	[dreg:$0x4] =	wrdreg $0x9  }
0xb1: {  	_ =	task.clear_ibuf [dreg:s7], $0x5FFFF;
	_ =	strace $0x90000046  }
0xb2: {  	s29 =	simm.s32 $0x9;
	_ =	strace $0x80000048  }
0xb3: {  	_ =	swait.ge [sflag:s29], $0x1  }
0xb4: {  	[sflag:s29] =	ssyncadd.s32 $0xFFFFFFFF  }
0xb5: {  	_ =	strace $0x90000048  }
0xb6: {  	_ =	sfence  }
0xb7: {  	s30 =	sld [smem:$0x0];
	_ =	sdelay $0x2  }
0xb8: {  	s31 =	sshll.u32 s1, $0xD;
	s1 =	sshrl.u32 s1, $0x2  }
0xb9: {  	s3 =	sand.u32 $0x4000, s31;
	s1 =	sadd.s32 s1, s30  }
0xba: {  	s0 =	sor.u32 s3, s0;
	s1 =	sshll.u32 s1, $0x11  }
0xbb: {  	s0 =	sor.u32 s1, s0  }
0xbc: {  	s0 =	sadd.s32 $0x8F2B, s0  }
0xbd: {  	[sflag:s0] =	ssyncadd.remote.s32 $0x1  }
0xbe: {  	_ =	sfence.sel $0xFFFF  }
0xbf: {  	[dreg:$0x0] =	wrdreg $0xFFFFFFFF;
	(pc) =	sbr.abs _section_cstart, $3  }
0xc0: {  	[dreg:$0x1] =	wrdreg $0xFFFFFFFF  }
0xc1: {  	_ =	task.clear_ibuf [dreg:s7], $0x2FFFF;
	_ =	strace $0x9FFFFFFF  }
0xc2: {  	(tm) =	ssettm $0x7FFFFFFF  }
0xc3: {  	_ =	shalt  }
tec
execute0_lowered:
.L_overlay_start_1:
0x0: {  	(tag) =	ssettag $0x1  }
0x1: {  	s0 =	rddreg [dreg:$0x0]  }
0x2: {  	s1 =	srdreg.scid;
	s2 =	stileid.u32  }
0x3: {  	s5 =	rddreg [dreg:$0x1];
	s1 =	sand.u32 $0x1, s1;
	s3 =	sshll.u32 s2, $0x1  }
0x4: {  	s9 =	simm.s32 $0x1;
	s2 =	simm.s32 $0x0;
	s3 =	sor.u32 s1, s3  }
0x5: {  	s4 =	sadd.s32 $0x800, s5;
	s1 =	ssub.s32 $0x2, s1;
	s3 =	smul.u32 $0x6400, s3  }
.Ltmp0:
0x6: {  	[smem:$0x7FF] =	sst s2;
	s6 =	sshrl.u32 s1, $0x1;
	(pc) =	sbr.rel .LBB2_1-.Ltmp0, $4  }
0x7: {  	s5 =	sadd.s32 $0xF42C00, s5;
	_ =	strace $0x80000047;
	s1 =	ssub.s32 s1, s6  }
0x8: {  	[dreg:$0x3] =	wrdreg s5;
	s7 =	sshrl.u32 s3, $0x3;
	s31 =	smax.u32 s1, $0x1  }
0x9: {  	s11 =	simm.s32 $0x6400;
	s0 =	sadd.s32 s0, s7;
	[dreg:$0x5] =	wrdreg s31  }
0xa: {  	s13 =	simm.s32 $0x2;
	s6 =	simm.s32 $0x0;
	[dreg:$0x4] =	wrdreg s0  }
.LBB2_11:
0xb: {  	s0 =	simm.s32 $0x3  }
0xc: {  	_ =	swait.ge [sflag:s0], $0xA000  }
0xd: {  	[sflag:s0] =	ssyncset.done $0x0  }
0xe: {  	s1 =	simm.s32 $0x4;
	[sflag:s0] =	ssyncadd.s32 $0xFFFF6000  }
0xf: {  	_ =	swait.ge [sflag:s1], $0xA000  }
0x10: {  	s6 =	rddreg [dreg:$0x6]  }
0x11: {  	s31 =	rddreg [dreg:$0x5];
	s6 =	sadd.s32 $0x1, s6  }
0x12: {  	p0 =	sne.s32 s6, s31  }
.Ltmp1:
0x13: {  	_ = 	snop;
	(pc) =	sbr.rel @!p0 .LBB2_12-.Ltmp1, $3  }
0x14: {  	_ =	sdelay $0x1  }
0x15: {  	[sflag:s1] =	ssyncset.done $0x0  }
0x16: {  	[sflag:s1] =	ssyncadd.s32 $0xFFFF6000  }
.LBB2_1:
0x17: {  	[dreg:$0x6] =	wrdreg s6  }
0x18: {  	s0 =	rddreg [dreg:$0x4];
	s31 =	simm.s32 $0x5  }
0x19: {  	[tilespmem:s2], [sflag:$0x5] =	stream.linear.gather [hbm4b:s0+s2], $0x6400, $0x38;
	[tilespmem:$0x1A400] =	vst v63  }
0x1a: {  	_ =	swait.ge [sflag:s31], $0x6400  }
0x1b: {  	[sflag:s31] =	ssyncset.done $0x0  }
0x1c: {  	[sflag:s31] =	ssyncadd.s32 $0xFFFF9C00  }
0x1d: {  	v0 =	vld [tilespmem:s2+$0x0];
	_ =	sdelay $0x4  }
0x1e: {  	v0 =	vshll.u32 v0, $0x4  }
0x1f: {  	(v2sf) =	vpush v0, $0x0  }
0x20: {  	(v2sf) =	vpush v0, $0x1  }
0x21: {  	(v2sf) =	vpush v0, $0x2;
	_ =	sdelay $0x1  }
0x22: {  	(v2sf) =	vpush v0, $0x4;
	_ =	sdelay $0x1  }
0x23: {  	(v2sf) =	vpush v0, $0x3  }
0x24: {  	(v2sf) =	vpush v0, $0x5  }
0x25: {  	s18 =	simm.s32 $0x2000;
	s17 =	simm.s32 $0x0;
	s19 =	simm.s32 $0x0;
	(v2sf) =	vpush v0, $0x6  }
.LBB2_2:
0x26: {  	p0 =	sne.s32 s18, $0x26000  }
0x27: {  	s6 =	sadd.s32 $0x6480, s17;
	s23 =	sadd.s32 $0x6980, s17;
	s20 =	smov.u32 s18  }
0x28: {  	s18 =	sadd.s32 $0x2000, s18;
	s26 =	sadd.s32 $0x6780, s17;
	s21 =	sadd.s32 $0x6A00, s17;
	(v2sf) =	vpush v0, $0x7  }
0x29: {  	s1 =	sadd.s32 $0x6680, s17;
	s24 =	sadd.s32 $0x6800, s17;
	s22 =	sadd.s32 $0x6A80, s17  }
0x2a: {  	s7 =	sadd.s32 $0x6400, s17;
	s28 =	sadd.s32 $0x6600, s17;
	(v2sf) =	vpush v0, $0x8  }
0x2b: {  	s16 =	simm.s32 $0x0;
	s29 =	sadd.s32 $0x6700, s17;
	s19 =	sadd.s32 $0x10, s19  }
0x2c: {  	s30 =	sadd.s32 $0x6500, s17;
	s25 =	sadd.s32 $0x6900, s17;
	s0 =	spop (v2sf);
	(v2sf) =	vpush v0, $0x9  }
0x2d: {  	s31 =	sand.u32 $0x1FFFFFF0, s0;
	s0 =	sadd.s32 $0x6880, s17;
	s8 =	spop (v2sf)  }
0x2e: {  	s31 =	sadd.s32 s4, s31;
	s8 =	sand.u32 $0x1FFFFFF0, s8;
	s14 =	spop (v2sf);
	(v2sf) =	vpush v0, $0xA  }
0x2f: {  	[tilespmem:s7], [sflag:$0x1] =	stream.linear.gather [hbm4b:s31+s16], $0x80, $0x38;
	[tilespmem:$0x1A400] =	vst v63  }
0x30: {  	s7 =	sadd.s32 s4, s8;
	s8 =	sadd.s32 $0x6580, s17;
	s31 =	spop (v2sf);
	(v2sf) =	vpush v0, $0xB  }
0x31: {  	[tilespmem:s6], [sflag:$0x1] =	stream.linear.gather [hbm4b:s7+s16], $0x80, $0x38;
	[tilespmem:$0x1A400] =	vst v63  }
0x32: {  	s6 =	sand.u32 $0x1FFFFFF0, s14;
	s7 =	sand.u32 $0x1FFFFFF0, s31;
	s14 =	spop (v2sf);
	(v2sf) =	vpush v0, $0xC  }
0x33: {  	s6 =	sadd.s32 s4, s6;
	s14 =	sand.u32 $0x1FFFFFF0, s14;
	s31 =	spop (v2sf)  }
0x34: {  	[tilespmem:s30], [sflag:$0x1] =	stream.linear.gather [hbm4b:s6+s16], $0x80, $0x38;
	(v2sf) =	vpush v0, $0xD;
	[tilespmem:$0x1A400] =	vst v63  }
0x35: {  	s6 =	sadd.s32 s4, s14;
	s14 =	sand.u32 $0x1FFFFFF0, s31;
	s30 =	spop (v2sf)  }
0x36: {  	[tilespmem:s8], [sflag:$0x1] =	stream.linear.gather [hbm4b:s6+s16], $0x80, $0x38;
	(v2sf) =	vpush v0, $0xE;
	[tilespmem:$0x1A400] =	vst v63  }
0x37: {  	s6 =	sadd.s32 s4, s7;
	s7 =	sand.u32 $0x1FFFFFF0, s30;
	s8 =	spop (v2sf)  }
0x38: {  	[tilespmem:s28], [sflag:$0x1] =	stream.linear.gather [hbm4b:s6+s16], $0x80, $0x38;
	(v2sf) =	vpush v0, $0xF;
	[tilespmem:$0x1A400] =	vst v63  }
0x39: {  	s6 =	sadd.s32 s4, s14;
	s8 =	sand.u32 $0x1FFFFFF0, s8;
	s14 =	spop (v2sf)  }
0x3a: {  	[tilespmem:s1], [sflag:$0x1] =	stream.linear.gather [hbm4b:s6+s16], $0x80, $0x38;
	[tilespmem:$0x1A400] =	vst v63  }
0x3b: {  	s1 =	sadd.s32 s4, s7;
	s6 =	sand.u32 $0x1FFFFFF0, s14;
	s7 =	spop (v2sf)  }
0x3c: {  	[tilespmem:s29], [sflag:$0x1] =	stream.linear.gather [hbm4b:s1+s16], $0x80, $0x38;
	[tilespmem:$0x1A400] =	vst v63  }
0x3d: {  	s1 =	sadd.s32 s4, s8;
	s7 =	sand.u32 $0x1FFFFFF0, s7;
	s8 =	spop (v2sf)  }
0x3e: {  	[tilespmem:s26], [sflag:$0x1] =	stream.linear.gather [hbm4b:s1+s16], $0x80, $0x38;
	[tilespmem:$0x1A400] =	vst v63  }
0x3f: {  	s1 =	sadd.s32 s4, s6;
	s6 =	sand.u32 $0x1FFFFFF0, s8;
	s8 =	spop (v2sf)  }
0x40: {  	[tilespmem:s24], [sflag:$0x1] =	stream.linear.gather [hbm4b:s1+s16], $0x80, $0x38;
	[tilespmem:$0x1A400] =	vst v63  }
0x41: {  	s1 =	sadd.s32 s4, s7;
	s7 =	sand.u32 $0x1FFFFFF0, s8;
	s8 =	spop (v2sf)  }
0x42: {  	[tilespmem:s0], [sflag:$0x1] =	stream.linear.gather [hbm4b:s1+s16], $0x80, $0x38;
	[tilespmem:$0x1A400] =	vst v63  }
0x43: {  	s0 =	sadd.s32 s4, s6;
	s1 =	sand.u32 $0x1FFFFFF0, s8;
	s6 =	spop (v2sf)  }
0x44: {  	[tilespmem:s25], [sflag:$0x1] =	stream.linear.gather [hbm4b:s0+s16], $0x80, $0x38;
	[tilespmem:$0x1A400] =	vst v63  }
0x45: {  	s0 =	sadd.s32 s4, s7;
	s6 =	sand.u32 $0x1FFFFFF0, s6;
	s7 =	spop (v2sf)  }
0x46: {  	[tilespmem:s23], [sflag:$0x1] =	stream.linear.gather [hbm4b:s0+s16], $0x80, $0x38;
	[tilespmem:$0x1A400] =	vst v63  }
0x47: {  	s0 =	sadd.s32 s4, s1;
	s1 =	sand.u32 $0x1FFFFFF0, s7;
	s7 =	spop (v2sf)  }
0x48: {  	[tilespmem:s21], [sflag:$0x1] =	stream.linear.gather [hbm4b:s0+s16], $0x80, $0x38;
	[tilespmem:$0x1A400] =	vst v63  }
0x49: {  	s0 =	sadd.s32 s4, s6;
	s6 =	sand.u32 $0x1FFFFFF0, s7  }
0x4a: {  	[tilespmem:s22], [sflag:$0x1] =	stream.linear.gather [hbm4b:s0+s16], $0x80, $0x38;
	[tilespmem:$0x1A400] =	vst v63  }
0x4b: {  	s1 =	sadd.s32 s4, s1;
	s0 =	sadd.s32 $0x6B00, s17  }
0x4c: {  	[tilespmem:s0], [sflag:$0x1] =	stream.linear.gather [hbm4b:s1+s16], $0x80, $0x38;
	[tilespmem:$0x1A400] =	vst v63  }
0x4d: {  	s0 =	sadd.s32 $0x6B80, s17;
	s1 =	sadd.s32 s4, s6  }
0x4e: {  	[tilespmem:s0], [sflag:$0x1] =	stream.linear.gather [hbm4b:s1+s16], $0x80, $0x38;
	[tilespmem:$0x1A400] =	vst v63  }
0x4f: {  	v0 =	vld [tilespmem:s19+$0x0];
	_ =	sdelay $0x4  }
0x50: {  	v0 =	vshll.u32 v0, $0x4  }
0x51: {  	(v2sf) =	vpush v0, $0x0  }
0x52: {  	(v2sf) =	vpush v0, $0x1  }
0x53: {  	(v2sf) =	vpush v0, $0x2;
	_ =	sdelay $0x1  }
0x54: {  	(v2sf) =	vpush v0, $0x4  }
.Ltmp2:
0x55: {  	(pc) =	sbr.rel @p0 .LBB2_2-.Ltmp2, $3  }
0x56: {  	(v2sf) =	vpush v0, $0x3  }
0x57: {  	(v2sf) =	vpush v0, $0x5;
	_ =	sdelay $0x1  }
0x58: {  	s17 =	sshra.s32 s20, $0x2;
	(v2sf) =	vpush v0, $0x6  }
0x59: {  	_ =	sdelay $0x1  }
0x5a: {  	s7 =	sadd.s32 $0x6480, s17  }
0x5b: {  	s6 =	sadd.s32 $0x6980, s17;
	s8 =	sadd.s32 $0x6780, s17;
	s0 =	sadd.s32 $0x6A00, s17;
	(v2sf) =	vpush v0, $0x7  }
0x5c: {  	s14 =	sadd.s32 $0x6680, s17;
	s18 =	sadd.s32 $0x6800, s17;
	s19 =	sadd.s32 $0x6400, s17  }
0x5d: {  	s20 =	sadd.s32 $0x6600, s17;
	s21 =	sadd.s32 $0x6700, s17;
	(v2sf) =	vpush v0, $0x8;
	s22 =	spop (v2sf)  }
0x5e: {  	s23 =	sadd.s32 $0x6500, s17;
	s22 =	sand.u32 $0x1FFFFFF0, s22;
	s24 =	spop (v2sf)  }
0x5f: {  	(v2sf) =	vpush v0, $0x9;
	s22 =	sadd.s32 s4, s22;
	s24 =	sand.u32 $0x1FFFFFF0, s24;
	s25 =	spop (v2sf)  }
0x60: {  	[tilespmem:s19], [sflag:$0x1] =	stream.linear.gather [hbm4b:s22+s16], $0x80, $0x38;
	[tilespmem:$0x1A400] =	vst v63  }
0x61: {  	s26 =	sadd.s32 $0x6580, s17;
	(v2sf) =	vpush v0, $0xA;
	s28 =	sadd.s32 s4, s24;
	s29 =	spop (v2sf)  }
0x62: {  	[tilespmem:s7], [sflag:$0x1] =	stream.linear.gather [hbm4b:s28+s16], $0x80, $0x38;
	[tilespmem:$0x1A400] =	vst v63  }
0x63: {  	s19 =	sadd.s32 $0x6900, s17;
	s30 =	sand.u32 $0x1FFFFFF0, s25;
	(v2sf) =	vpush v0, $0xB;
	s31 =	spop (v2sf)  }
0x64: {  	s22 =	sadd.s32 s4, s30;
	s7 =	sadd.s32 $0x6880, s17;
	s25 =	sand.u32 $0x1FFFFFF0, s31  }
0x65: {  	(v2sf) =	vpush v0, $0xC;
	[tilespmem:s23], [sflag:$0x1] =	stream.linear.gather [hbm4b:s22+s16], $0x80, $0x38;
	[tilespmem:$0x1A400] =	vst v63  }
0x66: {  	s10 =	sand.u32 $0x1FFFFFF0, s29;
	s12 =	spop (v2sf);
	s15 =	sadd.s32 s4, s25  }
0x67: {  	(v2sf) =	vpush v0, $0xD;
	[tilespmem:s26], [sflag:$0x1] =	stream.linear.gather [hbm4b:s15+s16], $0x80, $0x38;
	[tilespmem:$0x1A400] =	vst v63  }
0x68: {  	s22 =	sadd.s32 s4, s10;
	s23 =	sand.u32 $0x1FFFFFF0, s12;
	s25 =	spop (v2sf)  }
0x69: {  	[tilespmem:s20], [sflag:$0x1] =	stream.linear.gather [hbm4b:s22+s16], $0x80, $0x38;
	[tilespmem:$0x1A400] =	vst v63  }
0x6a: {  	s23 =	sadd.s32 s4, s23;
	s26 =	sand.u32 $0x1FFFFFF0, s25;
	s28 =	spop (v2sf)  }
0x6b: {  	(v2sf) =	vpush v0, $0xE;
	[tilespmem:s14], [sflag:$0x1] =	stream.linear.gather [hbm4b:s23+s16], $0x80, $0x38;
	[tilespmem:$0x1A400] =	vst v63  }
0x6c: {  	s29 =	sand.u32 $0x1FFFFFF0, s28;
	s30 =	spop (v2sf);
	s20 =	sadd.s32 s4, s26  }
0x6d: {  	(v2sf) =	vpush v0, $0xF;
	[tilespmem:s21], [sflag:$0x1] =	stream.linear.gather [hbm4b:s20+s16], $0x80, $0x38;
	[tilespmem:$0x1A400] =	vst v63  }
0x6e: {  	s31 =	sand.u32 $0x1FFFFFF0, s30;
	s14 =	sadd.s32 s4, s29;
	s10 =	spop (v2sf)  }
0x6f: {  	[tilespmem:s8], [sflag:$0x1] =	stream.linear.gather [hbm4b:s14+s16], $0x80, $0x38;
	[tilespmem:$0x1A400] =	vst v63  }
0x70: {  	s20 =	sadd.s32 s4, s31;
	s12 =	sand.u32 $0x1FFFFFF0, s10;
	s15 =	spop (v2sf)  }
0x71: {  	[tilespmem:s18], [sflag:$0x1] =	stream.linear.gather [hbm4b:s20+s16], $0x80, $0x38;
	[tilespmem:$0x1A400] =	vst v63  }
0x72: {  	s14 =	sand.u32 $0x1FFFFFF0, s15;
	s8 =	sadd.s32 s4, s12;
	s20 =	spop (v2sf)  }
0x73: {  	[tilespmem:s7], [sflag:$0x1] =	stream.linear.gather [hbm4b:s8+s16], $0x80, $0x38;
	[tilespmem:$0x1A400] =	vst v63  }
0x74: {  	s14 =	sadd.s32 s4, s14;
	s21 =	sand.u32 $0x1FFFFFF0, s20;
	s22 =	spop (v2sf)  }
0x75: {  	[tilespmem:s19], [sflag:$0x1] =	stream.linear.gather [hbm4b:s14+s16], $0x80, $0x38;
	[tilespmem:$0x1A400] =	vst v63  }
0x76: {  	s7 =	sadd.s32 s4, s21;
	s8 =	sand.u32 $0x1FFFFFF0, s22;
	s23 =	spop (v2sf)  }
0x77: {  	[tilespmem:s6], [sflag:$0x1] =	stream.linear.gather [hbm4b:s7+s16], $0x80, $0x38;
	[tilespmem:$0x1A400] =	vst v63  }
0x78: {  	s1 =	sadd.s32 $0x6A80, s17;
	s24 =	sand.u32 $0x1FFFFFF0, s23;
	s8 =	sadd.s32 s4, s8  }
0x79: {  	[tilespmem:s0], [sflag:$0x1] =	stream.linear.gather [hbm4b:s8+s16], $0x80, $0x38;
	[tilespmem:$0x1A400] =	vst v63  }
0x7a: {  	s30 =	sadd.s32 $0x6B00, s17;
	s25 =	spop (v2sf);
	s6 =	sadd.s32 s4, s24  }
0x7b: {  	[tilespmem:s1], [sflag:$0x1] =	stream.linear.gather [hbm4b:s6+s16], $0x80, $0x38;
	[tilespmem:$0x1A400] =	vst v63  }
.Ltmp3:
0x7c: {  	s26 =	sand.u32 $0x1FFFFFF0, s25;
	s28 =	spop (v2sf);
	(pc) =	sbr.rel .LBB2_4-.Ltmp3, $4  }
0x7d: {  	s31 =	sadd.s32 $0x6B80, s17;
	s29 =	sand.u32 $0x1FFFFFF0, s28;
	s0 =	sadd.s32 s4, s26  }
0x7e: {  	[tilespmem:s30], [sflag:$0x1] =	stream.linear.gather [hbm4b:s0+s16], $0x80, $0x38;
	[tilespmem:$0x1A400] =	vst v63  }
0x7f: {  	s17 =	simm.s32 $0x140;
	s18 =	simm.s32 $0x280;
	s1 =	sadd.s32 s4, s29  }
0x80: {  	[tilespmem:s31], [sflag:$0x1] =	stream.linear.gather [hbm4b:s1+s16], $0x80, $0x38;
	[tilespmem:$0x1A400] =	vst v63  }
.LBB2_10:
0x81: {  	s16 =	sadd.s32 $0x1, s16  }
0x82: {  	s0 =	smul.u32 $0x140, s19;
	p0 =	sne.s32 s16, $0x28  }
.Ltmp4:
0x83: {  	_ = 	snop;
	(pc) =	sbr.rel @!p0 .LBB2_11-.Ltmp4, $4  }
0x84: {  	_ =	swait.ge [sflag:s13], $0xA000;
	s1 =	simm.s32 $0x10400;
	s0 =	sadd.s32 s3, s0  }
0x85: {  	s17 =	sadd.s32 $0x280, s17;
	[sflag:s13] =	ssyncset.done $0x0;
	s0 =	sshll.u32 s0, $0x4  }
0x86: {  	s18 =	sadd.s32 $0x280, s18;
	[sflag:s13] =	ssyncadd.s32 $0xFFFF6000;
	s0 =	sadd.s32 s5, s0  }
0x87: {  	[hbm4b:s0+s2] =	stream.linear.scatter [tilespmem:s1], [sflag:$0x4], $0xA000, $0x38;
	[tilespmem:$0x1A400] =	vst v63  }
.LBB2_4:
0x88: {  	p0 =	seq.s32 s16, $0x0  }
0x89: {  	s0 =	simm.s32 @!p0 $0x4  }
0x8a: {  	_ =	swait.ge @!p0 [sflag:s0], $0xA000  }
0x8b: {  	[sflag:s0] =	ssyncset.done @!p0 $0x0  }
0x8c: {  	[sflag:s0] =	ssyncadd.s32 @!p0 $0xFFFF6000  }
0x8d: {  	v0 =	vld [tilespmem:s17+$0x0];
	_ =	sdelay $0x4  }
0x8e: {  	v0 =	vshll.u32 v0, $0x4  }
0x8f: {  	(v2sf) =	vpush v0, $0x0  }
0x90: {  	(v2sf) =	vpush v0, $0x1  }
0x91: {  	(v2sf) =	vpush v0, $0x2;
	_ =	sdelay $0x1  }
0x92: {  	(v2sf) =	vpush v0, $0x4;
	_ =	sdelay $0x1  }
0x93: {  	(v2sf) =	vpush v0, $0x3  }
0x94: {  	s19 =	sshllo.u32 s16, $0x1;
	(v2sf) =	vpush v0, $0x5  }
0x95: {  	s21 =	simm.s32 $0x2000;
	s20 =	simm.s32 $0x0;
	s22 =	smov.u32 s17;
	(v2sf) =	vpush v0, $0x6  }
.LBB2_5:
0x96: {  	p0 =	sne.s32 s21, $0x26000  }
0x97: {  	s6 =	sadd.s32 $0x10480, s20;
	s26 =	sadd.s32 $0x10980, s20;
	s23 =	smov.u32 s21  }
0x98: {  	s21 =	sadd.s32 $0x2000, s21;
	s30 =	sadd.s32 $0x10780, s20;
	s24 =	sadd.s32 $0x10A00, s20;
	(v2sf) =	vpush v0, $0x7  }
0x99: {  	s1 =	sadd.s32 $0x10680, s20;
	s29 =	sadd.s32 $0x10800, s20;
	s25 =	sadd.s32 $0x10A80, s20  }
0x9a: {  	s7 =	sadd.s32 $0x10400, s20;
	s8 =	sadd.s32 $0x10600, s20;
	(v2sf) =	vpush v0, $0x8  }
0x9b: {  	s14 =	sadd.s32 $0x10700, s20;
	s22 =	sadd.s32 $0x10, s22  }
0x9c: {  	s31 =	sadd.s32 $0x10500, s20;
	s28 =	sadd.s32 $0x10900, s20;
	s0 =	spop (v2sf);
	(v2sf) =	vpush v0, $0x9  }
0x9d: {  	s15 =	sand.u32 $0x1FFFFFF0, s0;
	s0 =	sadd.s32 $0x10880, s20;
	s10 =	spop (v2sf)  }
0x9e: {  	s15 =	sadd.s32 s4, s15;
	s10 =	sand.u32 $0x1FFFFFF0, s10;
	s12 =	spop (v2sf);
	(v2sf) =	vpush v0, $0xA  }
0x9f: {  	[tilespmem:s7], [sflag:$0x2] =	stream.linear.gather [hbm4b:s15+s2], $0x80, $0x38;
	[tilespmem:$0x1A400] =	vst v63  }
0xa0: {  	s7 =	sadd.s32 s4, s10;
	s10 =	sadd.s32 $0x10580, s20;
	s15 =	spop (v2sf);
	(v2sf) =	vpush v0, $0xB  }
0xa1: {  	[tilespmem:s6], [sflag:$0x2] =	stream.linear.gather [hbm4b:s7+s2], $0x80, $0x38;
	[tilespmem:$0x1A400] =	vst v63  }
0xa2: {  	s6 =	sand.u32 $0x1FFFFFF0, s12;
	s7 =	sand.u32 $0x1FFFFFF0, s15;
	s12 =	spop (v2sf);
	(v2sf) =	vpush v0, $0xC  }
0xa3: {  	s6 =	sadd.s32 s4, s6;
	s12 =	sand.u32 $0x1FFFFFF0, s12;
	s15 =	spop (v2sf)  }
0xa4: {  	[tilespmem:s31], [sflag:$0x2] =	stream.linear.gather [hbm4b:s6+s2], $0x80, $0x38;
	(v2sf) =	vpush v0, $0xD;
	[tilespmem:$0x1A400] =	vst v63  }
0xa5: {  	s6 =	sadd.s32 s4, s12;
	s12 =	sand.u32 $0x1FFFFFF0, s15;
	s15 =	spop (v2sf)  }
0xa6: {  	[tilespmem:s10], [sflag:$0x2] =	stream.linear.gather [hbm4b:s6+s2], $0x80, $0x38;
	(v2sf) =	vpush v0, $0xE;
	[tilespmem:$0x1A400] =	vst v63  }
0xa7: {  	s6 =	sadd.s32 s4, s7;
	s7 =	sand.u32 $0x1FFFFFF0, s15;
	s10 =	spop (v2sf)  }
0xa8: {  	[tilespmem:s8], [sflag:$0x2] =	stream.linear.gather [hbm4b:s6+s2], $0x80, $0x38;
	(v2sf) =	vpush v0, $0xF;
	[tilespmem:$0x1A400] =	vst v63  }
0xa9: {  	s6 =	sadd.s32 s4, s12;
	s8 =	sand.u32 $0x1FFFFFF0, s10;
	s10 =	spop (v2sf)  }
0xaa: {  	[tilespmem:s1], [sflag:$0x2] =	stream.linear.gather [hbm4b:s6+s2], $0x80, $0x38;
	[tilespmem:$0x1A400] =	vst v63  }
0xab: {  	s1 =	sadd.s32 s4, s7;
	s6 =	sand.u32 $0x1FFFFFF0, s10;
	s7 =	spop (v2sf)  }
0xac: {  	[tilespmem:s14], [sflag:$0x2] =	stream.linear.gather [hbm4b:s1+s2], $0x80, $0x38;
	[tilespmem:$0x1A400] =	vst v63  }
0xad: {  	s1 =	sadd.s32 s4, s8;
	s7 =	sand.u32 $0x1FFFFFF0, s7;
	s8 =	spop (v2sf)  }
0xae: {  	[tilespmem:s30], [sflag:$0x2] =	stream.linear.gather [hbm4b:s1+s2], $0x80, $0x38;
	[tilespmem:$0x1A400] =	vst v63  }
0xaf: {  	s1 =	sadd.s32 s4, s6;
	s6 =	sand.u32 $0x1FFFFFF0, s8;
	s8 =	spop (v2sf)  }
0xb0: {  	[tilespmem:s29], [sflag:$0x2] =	stream.linear.gather [hbm4b:s1+s2], $0x80, $0x38;
	[tilespmem:$0x1A400] =	vst v63  }
0xb1: {  	s1 =	sadd.s32 s4, s7;
	s7 =	sand.u32 $0x1FFFFFF0, s8;
	s8 =	spop (v2sf)  }
0xb2: {  	[tilespmem:s0], [sflag:$0x2] =	stream.linear.gather [hbm4b:s1+s2], $0x80, $0x38;
	[tilespmem:$0x1A400] =	vst v63  }
0xb3: {  	s0 =	sadd.s32 s4, s6;
	s1 =	sand.u32 $0x1FFFFFF0, s8;
	s6 =	spop (v2sf)  }
0xb4: {  	[tilespmem:s28], [sflag:$0x2] =	stream.linear.gather [hbm4b:s0+s2], $0x80, $0x38;
	[tilespmem:$0x1A400] =	vst v63  }
0xb5: {  	s0 =	sadd.s32 s4, s7;
	s6 =	sand.u32 $0x1FFFFFF0, s6;
	s7 =	spop (v2sf)  }
0xb6: {  	[tilespmem:s26], [sflag:$0x2] =	stream.linear.gather [hbm4b:s0+s2], $0x80, $0x38;
	[tilespmem:$0x1A400] =	vst v63  }
0xb7: {  	s0 =	sadd.s32 s4, s1;
	s1 =	sand.u32 $0x1FFFFFF0, s7;
	s7 =	spop (v2sf)  }
0xb8: {  	[tilespmem:s24], [sflag:$0x2] =	stream.linear.gather [hbm4b:s0+s2], $0x80, $0x38;
	[tilespmem:$0x1A400] =	vst v63  }
0xb9: {  	s0 =	sadd.s32 s4, s6;
	s6 =	sand.u32 $0x1FFFFFF0, s7  }
0xba: {  	[tilespmem:s25], [sflag:$0x2] =	stream.linear.gather [hbm4b:s0+s2], $0x80, $0x38;
	[tilespmem:$0x1A400] =	vst v63  }
0xbb: {  	s1 =	sadd.s32 s4, s1;
	s0 =	sadd.s32 $0x10B00, s20  }
0xbc: {  	[tilespmem:s0], [sflag:$0x2] =	stream.linear.gather [hbm4b:s1+s2], $0x80, $0x38;
	[tilespmem:$0x1A400] =	vst v63  }
0xbd: {  	s0 =	sadd.s32 $0x10B80, s20;
	s1 =	sadd.s32 s4, s6  }
0xbe: {  	[tilespmem:s0], [sflag:$0x2] =	stream.linear.gather [hbm4b:s1+s2], $0x80, $0x38;
	[tilespmem:$0x1A400] =	vst v63  }
0xbf: {  	v0 =	vld [tilespmem:s22+$0x0];
	_ =	sdelay $0x4  }
0xc0: {  	v0 =	vshll.u32 v0, $0x4  }
0xc1: {  	(v2sf) =	vpush v0, $0x0  }
0xc2: {  	(v2sf) =	vpush v0, $0x1  }
0xc3: {  	(v2sf) =	vpush v0, $0x2;
	_ =	sdelay $0x1  }
0xc4: {  	(v2sf) =	vpush v0, $0x4  }
.Ltmp5:
0xc5: {  	(pc) =	sbr.rel @p0 .LBB2_5-.Ltmp5, $3  }
0xc6: {  	(v2sf) =	vpush v0, $0x3  }
0xc7: {  	(v2sf) =	vpush v0, $0x5;
	_ =	sdelay $0x1  }
0xc8: {  	s20 =	sshra.s32 s23, $0x2;
	(v2sf) =	vpush v0, $0x6  }
0xc9: {  	_ =	sdelay $0x1  }
0xca: {  	s7 =	sadd.s32 $0x10480, s20;
	s6 =	sadd.s32 $0x10980, s20;
	s8 =	sadd.s32 $0x10780, s20  }
0xcb: {  	s0 =	sadd.s32 $0x10A00, s20;
	(v2sf) =	vpush v0, $0x7;
	s10 =	sadd.s32 $0x10680, s20;
	s12 =	sadd.s32 $0x10800, s20  }
0xcc: {  	s1 =	sadd.s32 $0x10A80, s20;
	s14 =	sadd.s32 $0x10400, s20;
	s15 =	sadd.s32 $0x10600, s20  }
0xcd: {  	s21 =	sadd.s32 $0x10700, s20;
	s23 =	sadd.s32 $0x10500, s20;
	(v2sf) =	vpush v0, $0x8;
	s22 =	spop (v2sf)  }
0xce: {  	s26 =	sadd.s32 $0x10580, s20;
	s22 =	sand.u32 $0x1FFFFFF0, s22;
	s24 =	spop (v2sf)  }
0xcf: {  	(v2sf) =	vpush v0, $0x9;
	s22 =	sadd.s32 s4, s22;
	s24 =	sand.u32 $0x1FFFFFF0, s24;
	s25 =	spop (v2sf)  }
0xd0: {  	[tilespmem:s14], [sflag:$0x2] =	stream.linear.gather [hbm4b:s22+s2], $0x80, $0x38;
	[tilespmem:$0x1A400] =	vst v63  }
0xd1: {  	p0 =	seq.s32 s16, $0x27;
	(v2sf) =	vpush v0, $0xA;
	s30 =	sadd.s32 s4, s24;
	s31 =	spop (v2sf)  }
0xd2: {  	[tilespmem:s7], [sflag:$0x2] =	stream.linear.gather [hbm4b:s30+s2], $0x80, $0x38;
	[tilespmem:$0x1A400] =	vst v63  }
0xd3: {  	s14 =	sadd.s32 $0x10900, s20;
	s28 =	sand.u32 $0x1FFFFFF0, s25;
	(v2sf) =	vpush v0, $0xB;
	s29 =	spop (v2sf)  }
0xd4: {  	s22 =	sadd.s32 s4, s28;
	s7 =	sadd.s32 $0x10880, s20;
	s25 =	sand.u32 $0x1FFFFFF0, s29  }
0xd5: {  	(v2sf) =	vpush v0, $0xC;
	[tilespmem:s23], [sflag:$0x2] =	stream.linear.gather [hbm4b:s22+s2], $0x80, $0x38;
	[tilespmem:$0x1A400] =	vst v63  }
0xd6: {  	s30 =	sand.u32 $0x1FFFFFF0, s31;
	s31 =	spop (v2sf);
	s28 =	sadd.s32 s4, s25  }
0xd7: {  	(v2sf) =	vpush v0, $0xD;
	[tilespmem:s26], [sflag:$0x2] =	stream.linear.gather [hbm4b:s28+s2], $0x80, $0x38;
	[tilespmem:$0x1A400] =	vst v63  }
0xd8: {  	s22 =	sadd.s32 s4, s30;
	s23 =	sand.u32 $0x1FFFFFF0, s31;
	s29 =	spop (v2sf)  }
0xd9: {  	(v2sf) =	vpush v0, $0xE;
	[tilespmem:s15], [sflag:$0x2] =	stream.linear.gather [hbm4b:s22+s2], $0x80, $0x38;
	[tilespmem:$0x1A400] =	vst v63  }
0xda: {  	s23 =	sadd.s32 s4, s23;
	s30 =	sand.u32 $0x1FFFFFF0, s29;
	s31 =	spop (v2sf)  }
0xdb: {  	(v2sf) =	vpush v0, $0xF;
	[tilespmem:s10], [sflag:$0x2] =	stream.linear.gather [hbm4b:s23+s2], $0x80, $0x38;
	[tilespmem:$0x1A400] =	vst v63  }
0xdc: {  	s24 =	sand.u32 $0x1FFFFFF0, s31;
	s25 =	spop (v2sf);
	s15 =	sadd.s32 s4, s30  }
0xdd: {  	[tilespmem:s21], [sflag:$0x2] =	stream.linear.gather [hbm4b:s15+s2], $0x80, $0x38;
	[tilespmem:$0x1A400] =	vst v63  }
0xde: {  	s26 =	sand.u32 $0x1FFFFFF0, s25;
	s10 =	sadd.s32 s4, s24;
	s28 =	spop (v2sf)  }
0xdf: {  	[tilespmem:s8], [sflag:$0x2] =	stream.linear.gather [hbm4b:s10+s2], $0x80, $0x38;
	[tilespmem:$0x1A400] =	vst v63  }
0xe0: {  	s15 =	sadd.s32 s4, s26;
	s29 =	sand.u32 $0x1FFFFFF0, s28;
	s30 =	spop (v2sf)  }
0xe1: {  	[tilespmem:s12], [sflag:$0x2] =	stream.linear.gather [hbm4b:s15+s2], $0x80, $0x38;
	[tilespmem:$0x1A400] =	vst v63  }
0xe2: {  	s10 =	sand.u32 $0x1FFFFFF0, s30;
	s8 =	sadd.s32 s4, s29;
	s31 =	spop (v2sf)  }
0xe3: {  	[tilespmem:s7], [sflag:$0x2] =	stream.linear.gather [hbm4b:s8+s2], $0x80, $0x38;
	[tilespmem:$0x1A400] =	vst v63  }
0xe4: {  	s10 =	sadd.s32 s4, s10;
	s12 =	sand.u32 $0x1FFFFFF0, s31;
	s15 =	spop (v2sf)  }
0xe5: {  	[tilespmem:s14], [sflag:$0x2] =	stream.linear.gather [hbm4b:s10+s2], $0x80, $0x38;
	[tilespmem:$0x1A400] =	vst v63  }
0xe6: {  	s7 =	sadd.s32 s4, s12;
	s8 =	sand.u32 $0x1FFFFFF0, s15;
	s21 =	spop (v2sf)  }
0xe7: {  	[tilespmem:s6], [sflag:$0x2] =	stream.linear.gather [hbm4b:s7+s2], $0x80, $0x38;
	[tilespmem:$0x1A400] =	vst v63  }
0xe8: {  	s22 =	sand.u32 $0x1FFFFFF0, s21;
	s8 =	sadd.s32 s4, s8;
	s23 =	spop (v2sf)  }
0xe9: {  	[tilespmem:s0], [sflag:$0x2] =	stream.linear.gather [hbm4b:s8+s2], $0x80, $0x38;
	[tilespmem:$0x1A400] =	vst v63  }
0xea: {  	s24 =	sand.u32 $0x1FFFFFF0, s23;
	s25 =	spop (v2sf);
	s6 =	sadd.s32 s4, s22  }
0xeb: {  	[tilespmem:s1], [sflag:$0x2] =	stream.linear.gather [hbm4b:s6+s2], $0x80, $0x38;
	[tilespmem:$0x1A400] =	vst v63  }
0xec: {  	s28 =	sadd.s32 $0x10B00, s20;
	s26 =	sand.u32 $0x1FFFFFF0, s25;
	s0 =	sadd.s32 s4, s24  }
0xed: {  	[tilespmem:s28], [sflag:$0x2] =	stream.linear.gather [hbm4b:s0+s2], $0x80, $0x38;
	[tilespmem:$0x1A400] =	vst v63  }
0xee: {  	s29 =	sadd.s32 $0x10B80, s20;
	s30 =	smul.u32 $0x280, s16;
	s1 =	sadd.s32 s4, s26  }
0xef: {  	[tilespmem:s29], [sflag:$0x2] =	stream.linear.gather [hbm4b:s1+s2], $0x80, $0x38;
	[tilespmem:$0x1A400] =	vst v63  }
.Ltmp6:
0xf0: {  	_ = 	snop;
	(pc) =	sbr.rel @p0 .LBB2_10-.Ltmp6, $4  }
0xf1: {  	s31 =	sadd.s32 s3, s30;
	_ =	swait.ge [sflag:s9], $0xA000  }
0xf2: {  	s0 =	sshll.u32 s31, $0x4;
	[sflag:s9] =	ssyncset.done $0x0  }
0xf3: {  	s0 =	sadd.s32 s5, s0;
	[sflag:s9] =	ssyncadd.s32 $0xFFFF6000  }
0xf4: {  	[hbm4b:s0+s2] =	stream.linear.scatter [tilespmem:s11], [sflag:$0x3], $0xA000, $0x38;
	[tilespmem:$0x1A400] =	vst v63  }
0xf5: {  	s23 =	simm.s32 $0x3  }
0xf6: {  	s0 =	simm.s32 $0x0;
	s1 =	sadd.s32 $0x0, s18;
	_ =	swait.ge [sflag:s23], $0xA000  }
0xf7: {  	s1 =	sand.u32 $0x3FF80, s1;
	s0 =	sand.u32 $0x70, s0;
	[sflag:s23] =	ssyncset.done $0x0  }
0xf8: {  	s0 =	sor.u32 s0, s1;
	[sflag:s23] =	ssyncadd.s32 $0xFFFF6000  }
0xf9: {  	v0 =	vld [tilespmem:s0+$0x0];
	_ =	sdelay $0x4  }
0xfa: {  	v0 =	vshll.u32 v0, $0x4  }
0xfb: {  	(v2sf) =	vpush v0, $0x0  }
0xfc: {  	(v2sf) =	vpush v0, $0x1  }
0xfd: {  	(v2sf) =	vpush v0, $0x2;
	_ =	sdelay $0x1  }
0xfe: {  	(v2sf) =	vpush v0, $0x3;
	_ =	sdelay $0x1  }
0xff: {  	(v2sf) =	vpush v0, $0x4;
	_ =	sdelay $0x3  }
0x100: {  	(v2sf) =	vpush v0, $0x5;
	_ =	sdelay $0x1  }
0x101: {  	(v2sf) =	vpush v0, $0x6  }
0x102: {  	s5 =	smov.u32 s3;
	s20 =	simm.s32 $0x2000;
	s21 =	simm.s32 $0x4000  }
0x103: {  	s22 =	simm.s32 $0x10;
	s24 =	simm.s32 $0x6480;
	s6 =	simm.s32 $0x6700  }
0x104: {  	s8 =	simm.s32 $0x6780;
	s12 =	simm.s32 $0x6400;
	s7 =	spop (v2sf);
	(v2sf) =	vpush v0, $0x7  }
0x105: {  	s3 =	simm.s32 $0x6500;
	s7 =	sand.u32 $0x1FFFFFF0, s7;
	s10 =	spop (v2sf)  }
0x106: {  	(v2sf) =	vpush v0, $0x8;
	s10 =	sand.u32 $0x1FFFFFF0, s10;
	s7 =	sadd.s32 s4, s7;
	s31 =	spop (v2sf)  }
0x107: {  	(v2sf) =	vpush v0, $0x9;
	[tilespmem:s12], [sflag:$0x1] =	stream.linear.gather [hbm4b:s7+s2], $0x80, $0x38;
	[tilespmem:$0x1A400] =	vst v63  }
0x108: {  	s10 =	sadd.s32 s4, s10;
	s9 =	sand.u32 $0x1FFFFFF0, s31;
	s11 =	spop (v2sf);
	(v2sf) =	vpush v0, $0xA  }
0x109: {  	[tilespmem:s24], [sflag:$0x1] =	stream.linear.gather [hbm4b:s10+s2], $0x80, $0x38;
	[tilespmem:$0x1A400] =	vst v63  }
0x10a: {  	s12 =	sand.u32 $0x1FFFFFF0, s11;
	s14 =	spop (v2sf);
	s10 =	sadd.s32 s4, s9  }
0x10b: {  	[tilespmem:s3], [sflag:$0x1] =	stream.linear.gather [hbm4b:s10+s2], $0x80, $0x38;
	[tilespmem:$0x1A400] =	vst v63  }
0x10c: {  	s13 =	simm.s32 $0x6580;
	(v2sf) =	vpush v0, $0xB;
	s14 =	sand.u32 $0x1FFFFFF0, s14;
	s12 =	sadd.s32 s4, s12  }
0x10d: {  	[tilespmem:s13], [sflag:$0x1] =	stream.linear.gather [hbm4b:s12+s2], $0x80, $0x38;
	[tilespmem:$0x1A400] =	vst v63  }
0x10e: {  	s25 =	simm.s32 $0x6600;
	s15 =	spop (v2sf);
	s10 =	sadd.s32 s4, s14  }
0x10f: {  	[tilespmem:s25], [sflag:$0x1] =	stream.linear.gather [hbm4b:s10+s2], $0x80, $0x38;
	[tilespmem:$0x1A400] =	vst v63  }
0x110: {  	s26 =	simm.s32 $0x6900;
	s1 =	sand.u32 $0x1FFFFFF0, s15;
	s25 =	spop (v2sf)  }
0x111: {  	s24 =	simm.s32 $0x6680;
	(v2sf) =	vpush v0, $0xC;
	s1 =	sadd.s32 s4, s1;
	s10 =	sand.u32 $0x1FFFFFF0, s25  }
0x112: {  	[tilespmem:s24], [sflag:$0x1] =	stream.linear.gather [hbm4b:s1+s2], $0x80, $0x38;
	[tilespmem:$0x1A400] =	vst v63  }
0x113: {  	s28 =	simm.s32 $0x6980;
	s3 =	sadd.s32 s4, s10;
	s31 =	spop (v2sf);
	(v2sf) =	vpush v0, $0xD  }
0x114: {  	[tilespmem:s6], [sflag:$0x1] =	stream.linear.gather [hbm4b:s3+s2], $0x80, $0x38;
	[tilespmem:$0x1A400] =	vst v63  }
0x115: {  	s30 =	simm.s32 $0x6A00;
	s29 =	simm.s32 $0x6A80;
	s10 =	spop (v2sf);
	(v2sf) =	vpush v0, $0xE  }
0x116: {  	s23 =	simm.s32 $0x0;
	s0 =	sadd.s32 $0x10, s18;
	s11 =	spop (v2sf)  }
0x117: {  	s12 =	simm.s32 $0x6800;
	s9 =	sand.u32 $0x1FFFFFF0, s31;
	s14 =	spop (v2sf);
	(v2sf) =	vpush v0, $0xF  }
0x118: {  	s13 =	simm.s32 $0x6880;
	s25 =	sand.u32 $0x3FF80, s0;
	s0 =	sadd.s32 s4, s9  }
0x119: {  	[tilespmem:s8], [sflag:$0x1] =	stream.linear.gather [hbm4b:s0+s2], $0x80, $0x38;
	[tilespmem:$0x1A400] =	vst v63  }
0x11a: {  	s24 =	simm.s32 $0x6B80;
	s1 =	sand.u32 $0x1FFFFFF0, s10;
	s6 =	sand.u32 $0x1FFFFFF0, s11  }
0x11b: {  	s1 =	sadd.s32 s4, s1;
	s15 =	sand.u32 $0x1FFFFFF0, s14;
	s31 =	spop (v2sf)  }
0x11c: {  	[tilespmem:s12], [sflag:$0x1] =	stream.linear.gather [hbm4b:s1+s2], $0x80, $0x38;
	[tilespmem:$0x1A400] =	vst v63  }
0x11d: {  	s6 =	sadd.s32 s4, s6;
	s1 =	sadd.s32 s4, s15;
	s0 =	sand.u32 $0x1FFFFFF0, s31  }
0x11e: {  	[tilespmem:s13], [sflag:$0x1] =	stream.linear.gather [hbm4b:s6+s2], $0x80, $0x38;
	[tilespmem:$0x1A400] =	vst v63  }
.LBB2_8:
0x11f: {  	p0 =	sne.s32 s21, $0x26000  }
0x120: {  	s6 =	sand.u32 $0x70, s22;
	s7 =	spop (v2sf);
	s8 =	smov.u32 s21  }
0x121: {  	[tilespmem:s26], [sflag:$0x1] =	stream.linear.gather [hbm4b:s1+s2], $0x80, $0x38;
	[tilespmem:$0x1A400] =	vst v63  }
0x122: {  	s0 =	sadd.s32 s4, s0;
	s1 =	sand.u32 $0x1FFFFFF0, s7;
	s7 =	spop (v2sf)  }
0x123: {  	[tilespmem:s28], [sflag:$0x1] =	stream.linear.gather [hbm4b:s0+s2], $0x80, $0x38;
	[tilespmem:$0x1A400] =	vst v63  }
0x124: {  	s0 =	sadd.s32 s4, s1;
	s1 =	sand.u32 $0x1FFFFFF0, s7;
	s7 =	spop (v2sf)  }
0x125: {  	[tilespmem:s30], [sflag:$0x1] =	stream.linear.gather [hbm4b:s0+s2], $0x80, $0x38;
	[tilespmem:$0x1A400] =	vst v63  }
0x126: {  	s0 =	sadd.s32 s4, s1;
	s1 =	sand.u32 $0x1FFFFFF0, s7;
	s7 =	spop (v2sf)  }
0x127: {  	[tilespmem:s29], [sflag:$0x1] =	stream.linear.gather [hbm4b:s0+s2], $0x80, $0x38;
	[tilespmem:$0x1A400] =	vst v63  }
0x128: {  	s1 =	sadd.s32 s4, s1;
	s0 =	sadd.s32 $0x6B00, s23;
	s7 =	sand.u32 $0x1FFFFFF0, s7  }
0x129: {  	[tilespmem:s0], [sflag:$0x1] =	stream.linear.gather [hbm4b:s1+s2], $0x80, $0x38;
	[tilespmem:$0x1A400] =	vst v63  }
0x12a: {  	s21 =	sadd.s32 $0x2000, s21;
	s0 =	sor.u32 s6, s25;
	s1 =	sadd.s32 s4, s7  }
0x12b: {  	[tilespmem:s24], [sflag:$0x1] =	stream.linear.gather [hbm4b:s1+s2], $0x80, $0x38;
	[tilespmem:$0x1A400] =	vst v63  }
0x12c: {  	v0 =	vld [tilespmem:s0+$0x0];
	_ =	sdelay $0x4  }
0x12d: {  	v0 =	vshll.u32 v0, $0x4  }
0x12e: {  	(v2sf) =	vpush v0, $0x0  }
0x12f: {  	(v2sf) =	vpush v0, $0x1  }
0x130: {  	(v2sf) =	vpush v0, $0x2  }
0x131: {  	(v2sf) =	vpush v0, $0x3;
	_ =	sdelay $0x1  }
0x132: {  	(v2sf) =	vpush v0, $0x4;
	_ =	sdelay $0x1  }
0x133: {  	s22 =	sadd.s32 $0x10, s22;
	(v2sf) =	vpush v0, $0x5  }
0x134: {  	s23 =	sshra.s32 s20, $0x2;
	s20 =	smov.u32 s8;
	s0 =	sadd.s32 s22, s18  }
0x135: {  	s8 =	sadd.s32 $0x6480, s23;
	s31 =	sadd.s32 $0x6780, s23;
	s1 =	sadd.s32 $0x6700, s23;
	(v2sf) =	vpush v0, $0x6  }
0x136: {  	s10 =	sadd.s32 $0x6400, s23;
	s12 =	sadd.s32 $0x6600, s23;
	s26 =	sadd.s32 $0x6900, s23  }
0x137: {  	s28 =	sadd.s32 $0x6980, s23;
	s7 =	sadd.s32 $0x6680, s23;
	s24 =	sadd.s32 $0x6B80, s23;
	(v2sf) =	vpush v0, $0x7  }
0x138: {  	s30 =	sadd.s32 $0x6A00, s23;
	s25 =	sand.u32 $0x3FF80, s0;
	s0 =	sadd.s32 $0x6800, s23  }
0x139: {  	s29 =	sadd.s32 $0x6A80, s23;
	(v2sf) =	vpush v0, $0x8  }
0x13a: {  	s6 =	sadd.s32 $0x6880, s23  }
0x13b: {  	s14 =	sadd.s32 $0x6580, s23;
	s15 =	spop (v2sf);
	(v2sf) =	vpush v0, $0x9  }
0x13c: {  	s15 =	sand.u32 $0x1FFFFFF0, s15;
	s13 =	spop (v2sf)  }
0x13d: {  	s9 =	sadd.s32 $0x6500, s23;
	s13 =	sand.u32 $0x1FFFFFF0, s13;
	s11 =	spop (v2sf);
	(v2sf) =	vpush v0, $0xA  }
0x13e: {  	s15 =	sadd.s32 s4, s15;
	s11 =	sand.u32 $0x1FFFFFF0, s11;
	s3 =	spop (v2sf)  }
0x13f: {  	[tilespmem:s10], [sflag:$0x1] =	stream.linear.gather [hbm4b:s15+s2], $0x80, $0x38;
	(v2sf) =	vpush v0, $0xB;
	[tilespmem:$0x1A400] =	vst v63  }
0x140: {  	s10 =	sadd.s32 s4, s13;
	s3 =	sand.u32 $0x1FFFFFF0, s3;
	s13 =	spop (v2sf)  }
0x141: {  	[tilespmem:s8], [sflag:$0x1] =	stream.linear.gather [hbm4b:s10+s2], $0x80, $0x38;
	[tilespmem:$0x1A400] =	vst v63  }
0x142: {  	s8 =	sadd.s32 s4, s11;
	s10 =	sand.u32 $0x1FFFFFF0, s13;
	s11 =	spop (v2sf)  }
0x143: {  	[tilespmem:s9], [sflag:$0x1] =	stream.linear.gather [hbm4b:s8+s2], $0x80, $0x38;
	(v2sf) =	vpush v0, $0xC;
	[tilespmem:$0x1A400] =	vst v63  }
0x144: {  	s3 =	sadd.s32 s4, s3;
	s8 =	sand.u32 $0x1FFFFFF0, s11;
	s9 =	spop (v2sf)  }
0x145: {  	[tilespmem:s14], [sflag:$0x1] =	stream.linear.gather [hbm4b:s3+s2], $0x80, $0x38;
	(v2sf) =	vpush v0, $0xD;
	[tilespmem:$0x1A400] =	vst v63  }
0x146: {  	s3 =	sadd.s32 s4, s10;
	s9 =	sand.u32 $0x1FFFFFF0, s9;
	s10 =	spop (v2sf)  }
0x147: {  	[tilespmem:s12], [sflag:$0x1] =	stream.linear.gather [hbm4b:s3+s2], $0x80, $0x38;
	(v2sf) =	vpush v0, $0xE;
	[tilespmem:$0x1A400] =	vst v63  }
0x148: {  	s3 =	sadd.s32 s4, s8;
	s8 =	sand.u32 $0x1FFFFFF0, s10;
	s10 =	spop (v2sf)  }
0x149: {  	[tilespmem:s7], [sflag:$0x1] =	stream.linear.gather [hbm4b:s3+s2], $0x80, $0x38;
	(v2sf) =	vpush v0, $0xF;
	[tilespmem:$0x1A400] =	vst v63  }
0x14a: {  	s3 =	sadd.s32 s4, s9;
	s7 =	sand.u32 $0x1FFFFFF0, s10;
	s9 =	spop (v2sf)  }
0x14b: {  	[tilespmem:s1], [sflag:$0x1] =	stream.linear.gather [hbm4b:s3+s2], $0x80, $0x38;
	[tilespmem:$0x1A400] =	vst v63  }
0x14c: {  	s1 =	sadd.s32 s4, s8;
	s3 =	sand.u32 $0x1FFFFFF0, s9;
	s8 =	spop (v2sf)  }
0x14d: {  	[tilespmem:s31], [sflag:$0x1] =	stream.linear.gather [hbm4b:s1+s2], $0x80, $0x38;
	[tilespmem:$0x1A400] =	vst v63  }
.Ltmp7:
0x14e: {  	_ = 	snop;
	(pc) =	sbr.rel @p0 .LBB2_8-.Ltmp7, $4  }
0x14f: {  	s1 =	sadd.s32 s4, s7;
	s7 =	sand.u32 $0x1FFFFFF0, s8;
	s8 =	spop (v2sf)  }
0x150: {  	[tilespmem:s0], [sflag:$0x1] =	stream.linear.gather [hbm4b:s1+s2], $0x80, $0x38;
	[tilespmem:$0x1A400] =	vst v63  }
0x151: {  	s3 =	sadd.s32 s4, s3;
	s1 =	sadd.s32 s4, s7;
	s0 =	sand.u32 $0x1FFFFFF0, s8  }
0x152: {  	[tilespmem:s6], [sflag:$0x1] =	stream.linear.gather [hbm4b:s3+s2], $0x80, $0x38;
	[tilespmem:$0x1A400] =	vst v63  }
0x153: {  	s3 =	sand.u32 $0x70, s22;
	s6 =	spop (v2sf)  }
0x154: {  	[tilespmem:s26], [sflag:$0x1] =	stream.linear.gather [hbm4b:s1+s2], $0x80, $0x38;
	[tilespmem:$0x1A400] =	vst v63  }
0x155: {  	s0 =	sadd.s32 s4, s0;
	s10 =	sand.u32 $0x1FFFFFF0, s6;
	s11 =	spop (v2sf)  }
0x156: {  	[tilespmem:s28], [sflag:$0x1] =	stream.linear.gather [hbm4b:s0+s2], $0x80, $0x38;
	[tilespmem:$0x1A400] =	vst v63  }
0x157: {  	s12 =	sadd.s32 s4, s10;
	s13 =	sand.u32 $0x1FFFFFF0, s11;
	s14 =	spop (v2sf)  }
0x158: {  	[tilespmem:s30], [sflag:$0x1] =	stream.linear.gather [hbm4b:s12+s2], $0x80, $0x38;
	[tilespmem:$0x1A400] =	vst v63  }
0x159: {  	s15 =	sadd.s32 s4, s13;
	s21 =	sand.u32 $0x1FFFFFF0, s14;
	s22 =	spop (v2sf)  }
0x15a: {  	[tilespmem:s29], [sflag:$0x1] =	stream.linear.gather [hbm4b:s15+s2], $0x80, $0x38;
	[tilespmem:$0x1A400] =	vst v63  }
0x15b: {  	s23 =	sadd.s32 $0x6B00, s23;
	s1 =	sadd.s32 s4, s21;
	s6 =	sand.u32 $0x1FFFFFF0, s22  }
0x15c: {  	[tilespmem:s23], [sflag:$0x1] =	stream.linear.gather [hbm4b:s1+s2], $0x80, $0x38;
	[tilespmem:$0x1A400] =	vst v63  }
0x15d: {  	s25 =	sor.u32 s3, s25;
	s26 =	sadd.s32 s4, s6  }
0x15e: {  	[tilespmem:s24], [sflag:$0x1] =	stream.linear.gather [hbm4b:s26+s2], $0x80, $0x38;
	[tilespmem:$0x1A400] =	vst v63  }
0x15f: {  	v0 =	vld [tilespmem:s25+$0x0];
	_ =	sdelay $0x4  }
0x160: {  	v0 =	vshll.u32 v0, $0x4  }
0x161: {  	(v2sf) =	vpush v0, $0x0  }
0x162: {  	(v2sf) =	vpush v0, $0x1  }
0x163: {  	(v2sf) =	vpush v0, $0x2;
	_ =	sdelay $0x1  }
0x164: {  	(v2sf) =	vpush v0, $0x3;
	_ =	sdelay $0x1  }
0x165: {  	(v2sf) =	vpush v0, $0x4;
	_ =	sdelay $0x1  }
0x166: {  	(v2sf) =	vpush v0, $0x5;
	_ =	sdelay $0x1  }
0x167: {  	s20 =	sshra.s32 s20, $0x2;
	(v2sf) =	vpush v0, $0x6  }
0x168: {  	s8 =	sadd.s32 $0x6700, s20  }
0x169: {  	s9 =	sadd.s32 $0x6780, s20;
	s7 =	sadd.s32 $0x6900, s20;
	s28 =	sadd.s32 $0x6480, s20;
	(v2sf) =	vpush v0, $0x7  }
0x16a: {  	s10 =	sadd.s32 $0x6400, s20;
	s11 =	sadd.s32 $0x6600, s20;
	s0 =	sadd.s32 $0x6A80, s20  }
0x16b: {  	s13 =	sadd.s32 $0x6800, s20;
	s12 =	sadd.s32 $0x6680, s20;
	s15 =	sadd.s32 $0x6880, s20;
	(v2sf) =	vpush v0, $0x8  }
0x16c: {  	s22 =	sadd.s32 $0x6580, s20;
	s29 =	sadd.s32 $0x6500, s20;
	s14 =	spop (v2sf)  }
0x16d: {  	s6 =	sadd.s32 $0x6980, s20;
	(v2sf) =	vpush v0, $0x9;
	s21 =	spop (v2sf);
	s14 =	sand.u32 $0x1FFFFFF0, s14  }
0x16e: {  	(v2sf) =	vpush v0, $0xA;
	s21 =	sand.u32 $0x1FFFFFF0, s21;
	s30 =	spop (v2sf);
	s14 =	sadd.s32 s4, s14  }
0x16f: {  	[tilespmem:s10], [sflag:$0x1] =	stream.linear.gather [hbm4b:s14+s2], $0x80, $0x38;
	[tilespmem:$0x1A400] =	vst v63  }
0x170: {  	s31 =	sand.u32 $0x1FFFFFF0, s30;
	s24 =	spop (v2sf);
	s21 =	sadd.s32 s4, s21  }
0x171: {  	[tilespmem:s28], [sflag:$0x1] =	stream.linear.gather [hbm4b:s21+s2], $0x80, $0x38;
	[tilespmem:$0x1A400] =	vst v63  }
0x172: {  	(v2sf) =	vpush v0, $0xB;
	s25 =	sand.u32 $0x1FFFFFF0, s24;
	s26 =	spop (v2sf);
	s10 =	sadd.s32 s4, s31  }
0x173: {  	[tilespmem:s29], [sflag:$0x1] =	stream.linear.gather [hbm4b:s10+s2], $0x80, $0x38;
	[tilespmem:$0x1A400] =	vst v63  }
0x174: {  	(v2sf) =	vpush v0, $0xC;
	s28 =	sand.u32 $0x1FFFFFF0, s26;
	s3 =	sadd.s32 s4, s25;
	s29 =	spop (v2sf)  }
0x175: {  	[tilespmem:s22], [sflag:$0x1] =	stream.linear.gather [hbm4b:s3+s2], $0x80, $0x38;
	[tilespmem:$0x1A400] =	vst v63  }
0x176: {  	(v2sf) =	vpush v0, $0xD;
	s10 =	sadd.s32 s4, s28;
	s30 =	sand.u32 $0x1FFFFFF0, s29;
	s31 =	spop (v2sf)  }
0x177: {  	[tilespmem:s11], [sflag:$0x1] =	stream.linear.gather [hbm4b:s10+s2], $0x80, $0x38;
	[tilespmem:$0x1A400] =	vst v63  }
0x178: {  	s21 =	sand.u32 $0x1FFFFFF0, s31;
	s22 =	spop (v2sf);
	s3 =	sadd.s32 s4, s30  }
0x179: {  	[tilespmem:s12], [sflag:$0x1] =	stream.linear.gather [hbm4b:s3+s2], $0x80, $0x38;
	[tilespmem:$0x1A400] =	vst v63  }
0x17a: {  	s1 =	sadd.s32 $0x6A00, s20;
	(v2sf) =	vpush v0, $0xE;
	s24 =	spop (v2sf);
	s10 =	sadd.s32 s4, s21  }
0x17b: {  	[tilespmem:s8], [sflag:$0x1] =	stream.linear.gather [hbm4b:s10+s2], $0x80, $0x38;
	[tilespmem:$0x1A400] =	vst v63  }
0x17c: {  	(v2sf) =	vpush v0, $0xF;
	s23 =	sand.u32 $0x1FFFFFF0, s22;
	s25 =	sand.u32 $0x1FFFFFF0, s24;
	s26 =	spop (v2sf)  }
0x17d: {  	s3 =	sadd.s32 s4, s23;
	s8 =	sadd.s32 s4, s25;
	s29 =	spop (v2sf)  }
0x17e: {  	[tilespmem:s9], [sflag:$0x1] =	stream.linear.gather [hbm4b:s3+s2], $0x80, $0x38;
	[tilespmem:$0x1A400] =	vst v63  }
0x17f: {  	s28 =	sand.u32 $0x1FFFFFF0, s26;
	s26 =	sadd.s32 $0x6B00, s20;
	s30 =	sand.u32 $0x1FFFFFF0, s29  }
0x180: {  	[tilespmem:s13], [sflag:$0x1] =	stream.linear.gather [hbm4b:s8+s2], $0x80, $0x38;
	[tilespmem:$0x1A400] =	vst v63  }
0x181: {  	s31 =	spop (v2sf);
	s3 =	sadd.s32 s4, s28;
	s9 =	simm.s32 $0x1  }
0x182: {  	[tilespmem:s15], [sflag:$0x1] =	stream.linear.gather [hbm4b:s3+s2], $0x80, $0x38;
	[tilespmem:$0x1A400] =	vst v63  }
0x183: {  	s10 =	sand.u32 $0x1FFFFFF0, s31;
	s11 =	spop (v2sf);
	s8 =	sadd.s32 s4, s30  }
0x184: {  	[tilespmem:s7], [sflag:$0x1] =	stream.linear.gather [hbm4b:s8+s2], $0x80, $0x38;
	[tilespmem:$0x1A400] =	vst v63  }
0x185: {  	s12 =	sadd.s32 s4, s10;
	s13 =	sand.u32 $0x1FFFFFF0, s11;
	s14 =	spop (v2sf)  }
0x186: {  	[tilespmem:s6], [sflag:$0x1] =	stream.linear.gather [hbm4b:s12+s2], $0x80, $0x38;
	[tilespmem:$0x1A400] =	vst v63  }
0x187: {  	s30 =	sadd.s32 $0x6B80, s20;
	s21 =	sand.u32 $0x1FFFFFF0, s14;
	s15 =	sadd.s32 s4, s13  }
0x188: {  	[tilespmem:s1], [sflag:$0x1] =	stream.linear.gather [hbm4b:s15+s2], $0x80, $0x38;
	[tilespmem:$0x1A400] =	vst v63  }
0x189: {  	s11 =	simm.s32 $0x6400;
	s23 =	sadd.s32 s4, s21;
	s22 =	spop (v2sf)  }
0x18a: {  	[tilespmem:s0], [sflag:$0x1] =	stream.linear.gather [hbm4b:s23+s2], $0x80, $0x38;
	[tilespmem:$0x1A400] =	vst v63  }
.Ltmp8:
0x18b: {  	s24 =	sand.u32 $0x1FFFFFF0, s22;
	s25 =	spop (v2sf);
	(pc) =	sbr.rel .LBB2_10-.Ltmp8, $4  }
0x18c: {  	s3 =	smov.u32 s5;
	s28 =	sadd.s32 s4, s24;
	s29 =	sand.u32 $0x1FFFFFF0, s25  }
0x18d: {  	[tilespmem:s26], [sflag:$0x1] =	stream.linear.gather [hbm4b:s28+s2], $0x80, $0x38;
	[tilespmem:$0x1A400] =	vst v63  }
0x18e: {  	s5 =	rddreg [dreg:$0x3];
	s13 =	simm.s32 $0x2;
	s31 =	sadd.s32 s4, s29  }
0x18f: {  	[tilespmem:s30], [sflag:$0x1] =	stream.linear.gather [hbm4b:s31+s2], $0x80, $0x38;
	[tilespmem:$0x1A400] =	vst v63  }
.LBB2_12:
0x190: {  	_ =	sfence.sel $0x180000  }
0x191: {  	[bflag:$0x0] =	sbarrier.arrive $0xFFFF  }
0x192: {  	_ =	strace $0x90000047  }
0x193: {  	s0 =	stileid.u32;
	[bflag:$0x2] =	sbarrier.arrive $0xFFFF  }
0x194: {  	p0 =	sne.s32 s0, $0x0;
	s0 =	rddreg [dreg:$0x2]  }
0x195: {  	s0 =	sadd.s32 @!p0 $0x100000, s0  }
0x196: {  	[sflag:s0] =	ssyncadd.tile.s32 @!p0 $0x1;
	_ =	shalt  }
.Lfunc_end2:
_tile_overlayer_lowered:
.L_overlay_start_2:
0x197: {  	(tag) =	ssettag $0x2  }
0x198: {  	s0 =	rddreg [dreg:$0x0];
	s2 =	stileid.u32  }
0x199: {  	s1 =	rddreg [dreg:$0x1];
	p0 =	sne.s32 s2, $0x0  }
0x19a: {  	s3 =	rddreg [dreg:$0x2];
	[bflag:$0x3] =	sbarrier.arrive $0xFFFF;
	s2 =	simm.s32 @!p0 $0x1C05  }
0x19b: {  	[timem:s3], [sflag:s2] =	dma.local @!p0 [hbm:s0], s1  }
0x19c: {  	s0 =	simm.s32 @!p0 $0x5  }
0x19d: {  	_ =	swait.ge @!p0 [sflag:s0], s1  }
0x19e: {  	s1 =	ssub.s32 @!p0 $0x0, s1;
	[sflag:s0] =	ssyncset.done @!p0 $0x0  }
0x19f: {  	[sflag:s0] =	ssyncadd.s32 @!p0 s1  }
0x1a0: {  	[bflag:$0x3] =	sbarrier.arrive $0xFFFF  }
0x1a1: {  	_ =	shalt  }

// kernel: sparse-core-data-format-call.cloned.1.call-start
scs
called_computation_lowered:
.L_overlay_start_0:
0x0: {  	s2 =	sld [smem:$0x3FD9]  }
0x1: {  	s3 =	sld [smem:$0x3FFE];
	_ =	sdelay $0x1  }
0x2: {  	s1 =	srdreg.scid  }
0x3: {  	s0 =	sand.u32 $0x1, s1  }
0x4: {  	s18 =	sshll.u32 s0, $0xA;
	s2 =	sadd.s32 s3, s2  }
0x5: {  	s2 =	sadd.s32 s2, s18  }
0x6: {  	[smem:$0x3FC6] =	sst s2  }
0x7: {  	_ = 	snop  }
0x8: {  	s2 =	sld [smem:$0x3FD0];
	(tm) =	ssettm $0x1  }
0x9: {  	s19 =	sld [smem:$0x3FFB];
	_ =	sdelay $0x3  }
0xa: {  	_ =	strace s19  }
0xb: {  	s3 =	sld [smem:$0x3FFC];
	_ =	sdelay $0x3  }
0xc: {  	_ =	strace s3  }
0xd: {  	s3 =	sld [smem:$0x3FFD];
	_ =	sdelay $0x3  }
0xe: {  	_ =	strace s3  }
0xf: {  	_ =	strace $0x8FFFFFFF  }
0x10: {  	s20 =	sld [smem:$0x3FDB];
	_ =	sdelay $0x1  }
0x11: {  	s4 =	simm.s32 $_scs_section_size  }
0x12: {  	s5 =	simm.s32 $_size__tile_overlayer_lowered;
	s6 =	simm.s32 $_tile_overlayer_lowered  }
0x13: {  	s23 =	simm.s32 $0x1BFF;
	s22 =	sshll.u32 s6, $0x1;
	s3 =	sadd.s32 s4, s20  }
0x14: {  	s7 =	simm.s32 $0x0;
	s21 =	sshll.u32 s5, $0x1;
	s5 =	sadd.s32 s22, s3  }
0x15: {  	[timem:s7], [sflag:s23] =	dma.local [hbm:s5], s21  }
0x16: {  	_ =	swait.ge [sflag:s23], s21  }
0x17: {  	s4 =	ssub.s32 $0x0, s21;
	[sflag:s23] =	ssyncset.done $0x0  }
0x18: {  	[sflag:s23] =	ssyncadd.s32 s4;
	_ =	sdelay $0x1  }
0x19: {  	s24 =	simm.s32 $0x1B8B  }
0x1a: {  	_ =	swait.ge [sflag:s24], $0x1  }
0x1b: {  	[sflag:s24] =	ssyncset.done $0x0  }
0x1c: {  	s26 =	simm.s32 $0x1B8E;
	s25 =	sld [smem:$0x3FFE];
	[sflag:s24] =	ssyncadd.s32 $0xFFFFFFFF  }
0x1d: {  	s27 =	simm.s32 $execute0_lowered;
	[smem:$0x3FD2] =	sst s26  }
0x1e: {  	s5 =	sshll.u32 s27, $0x1;
	_ =	strace $0x80000049;
	[dreg:$0x1] =	wrdreg $0xFFFFFFFF  }
0x1f: {  	s28 =	simm.s32 $_size_execute0_lowered;
	s3 =	sadd.s32 s3, s5;
	[dreg:$0x0] =	wrdreg $0x0  }
0x20: {  	s5 =	sshll.u32 s28, $0x1;
	[dreg:$0x2] =	wrdreg s3  }
0x21: {  	[dreg:$0x3] =	wrdreg s5  }
0x22: {  	[dreg:$0x4] =	wrdreg $0xC0  }
0x23: {  	_ =	task [dreg:s7], $0x5FFFF  }
0x24: {  	[dreg:$0x1] =	wrdreg $0xFFFFFFFF  }
0x25: {  	[dreg:$0x0] =	wrdreg $0x60  }
0x26: {  	[dreg:$0x2] =	wrdreg s25  }
0x27: {  	[dreg:$0x3] =	wrdreg s2  }
0x28: {  	[dreg:$0x4] =	wrdreg $0x9  }
0x29: {  	_ =	task.clear_ibuf [dreg:s7], $0x5FFFF;
	_ =	strace $0x90000049  }
0x2a: {  	s29 =	simm.s32 $0x9;
	_ =	strace $0x8000004B  }
0x2b: {  	_ =	swait.ge [sflag:s29], $0x1  }
0x2c: {  	[sflag:s29] =	ssyncadd.s32 $0xFFFFFFFF  }
0x2d: {  	_ =	strace $0x9000004B  }
0x2e: {  	_ =	sfence  }
0x2f: {  	s30 =	sld [smem:$0x0];
	_ =	sdelay $0x2  }
0x30: {  	s31 =	sshll.u32 s1, $0xD;
	s1 =	sshrl.u32 s1, $0x2  }
0x31: {  	s3 =	sand.u32 $0x4000, s31;
	s1 =	sadd.s32 s1, s30  }
0x32: {  	s0 =	sor.u32 s3, s0;
	s1 =	sshll.u32 s1, $0x11  }
0x33: {  	s0 =	sor.u32 s1, s0  }
0x34: {  	s0 =	sadd.s32 $0x8F2B, s0  }
0x35: {  	[sflag:s0] =	ssyncadd.remote.s32 $0x1  }
0x36: {  	_ =	sfence.sel $0xFFFF  }
0x37: {  	[dreg:$0x0] =	wrdreg $0xFFFFFFFF;
	(pc) =	sbr.abs _section_cstart, $3  }
0x38: {  	[dreg:$0x1] =	wrdreg $0xFFFFFFFF  }
0x39: {  	_ =	task.clear_ibuf [dreg:s7], $0x2FFFF;
	_ =	strace $0x9FFFFFFF  }
0x3a: {  	(tm) =	ssettm $0x7FFFFFFF  }
0x3b: {  	_ =	shalt  }
tec
execute0_lowered:
.L_overlay_start_1:
0x0: {  	(tag) =	ssettag $0x1  }
0x1: {  	s0 =	srdreg.scid  }
0x2: {  	s1 =	sshll.u32 s0, $0x4  }
0x3: {  	s0 =	stileid.u32;
	s1 =	sand.u32 $0x10, s1  }
0x4: {  	s1 =	sor.u32 s0, s1  }
0x5: {  	s6 =	rddreg [dreg:$0x0];
	s4 =	simm.s32 $0x1;
	s2 =	sshll.u32 s1, $0x7  }
0x6: {  	s7 =	simm.s32 $0x2;
	s12 =	simm.s32 $0x0;
	s1 =	ssub.s32 $0x1000, s2  }
0x7: {  	s8 =	simm.s32 $0x8000;
	s13 =	simm.s32 $0x0;
	s3 =	sand.u32 $0xF80, s1  }
0x8: {  	s9 =	simm.s32 $0x0;
	s5 =	sshrl.u32 s1, $0xC;
	p0 =	sne.s32 s3, $0x0  }
.Ltmp0:
0x9: {  	s1 =	rddreg [dreg:$0x2];
	s4 =	simm.s32 @!p0 $0x0;
	(pc) =	sbr.rel .LBB1_1-.Ltmp0, $4  }
0xa: {  	s11 =	simm.s32 $0x0;
	s3 =	rddreg [dreg:$0x1];
	s5 =	sadd.s32 s4, s5  }
0xb: {  	_ =	strace $0x8000004A;
	s4 =	simm.s32 $0x1;
	s5 =	smul.u32 $0xC8, s5  }
0xc: {  	s6 =	sadd.s32 $0xF42C00, s6;
	s10 =	smov.u32 s2;
	[sflag:s4] =	ssyncpa.u1 $0x0  }
0xd: {  	p0 =	por $0x0, $0x0;
	[sflag:s7] =	ssyncpa.u1 $0x0;
	s7 =	sor.u32 $0x1, s5  }
.LBB1_4:
0xe: {  	s16 =	sshll.u32 s13, $0x3;
	s17 =	sand.u32 $0x78, s13  }
0xf: {  	s30 =	sand.u32 $0x7E00, s13;
	s12 =	sshll.u32 s12, $0xF;
	s16 =	sand.u32 $0xC00, s16  }
0x10: {  	[tilespmem:s15+$0x810 ss:$0x81] =	vst.msk $0xffff, v2;
	s31 =	sand.u32 $0x7, s13;
	s16 =	sor.u32 s17, s16;
	s17 =	sadd.s32 s3, s30  }
0x11: {  	[tilespmem:s15+$0x1020 ss:$0x81] =	vst.msk $0xffff, v0;
	s13 =	sshll.u32 s31, $0x12;
	s12 =	sadd.s32 s12, s17;
	s16 =	sshrl.u32 s16, $0x3  }
0x12: {  	[tilespmem:s15+$0x0 ss:$0x81] =	vst.msk $0xffff, v1;
	s13 =	sor.u32 $0x400, s13;
	s12 =	sadd.s32 s16, s12  }
0x13: {  	[hbm4b:s12+s13] =	stream.strided.scatter [tilespmem:s14], [sflag:$0x2], $0x2000, s8, s13, $0x20;
	[tilespmem:$0x8080] =	vst v63  }
.LBB1_5:
0x14: {  	s14 =	sadd.s32 $0x1, s9  }
0x15: {  	s12 =	sadd.s32 $0x1000, s10;
	s16 =	smov.u32 s10;
	p2 =	sgt.s32 s14, $0xC7  }
0x16: {  	s16 =	smov.u32 @p2 s12  }
0x17: {  	s14 =	simm.s32 @p2 $0x0;
	p2 =	sgt.s32 s16, $0xFFF  }
0x18: {  	s16 =	smov.u32 @p2 s2;
	p2 =	sne.s32 s11, s7  }
.Ltmp1:
0x19: {  	p1 =	slt.u32 s11, $0x2;
	(pc) =	sbr.rel @!p2 .LBB1_6-.Ltmp1, $4  }
0x1a: {  	s15 =	simm.s32 @!p1 $0x2  }
0x1b: {  	s13 =	smov.u32 s10;
	p0 =	por !p0, !p0;
	_ =	swait.ge @!p1 [sflag:s15], $0x2000  }
0x1c: {  	s12 =	smov.u32 s9;
	[sflag:s15] =	ssyncset.done @!p1 $0x0;
	s9 =	smov.u32 s14  }
0x1d: {  	s11 =	sadd.s32 $0x1, s11;
	[sflag:s15] =	ssyncadd.s32 @!p1 $0xFFFFE000;
	s10 =	smov.u32 s16  }
.LBB1_1:
0x1e: {  	p1 =	sge.u32 s11, s5  }
0x1f: {  	s14 =	sand.u32 @!p1 $0x1FFFFFF, s9  }
0x20: {  	s15 =	smulhi.u32 @!p1 $0x147AE15, s14;
	_ =	sdelay $0x1  }
0x21: {  	s15 =	smul.u32 @!p1 $0xC8, s15  }
0x22: {  	s16 =	sxor.u32 @!p1 $0xFFFFFFFF, s11;
	s17 =	smul.u32 @!p1 $0xC80, s10  }
0x23: {  	s31 =	sadd.s32 $0xFFFFFFFF, s11;
	s16 =	sshll.u32 @!p1 s16, $0xD;
	s14 =	ssub.s32 @!p1 s14, s15  }
0x24: {  	s15 =	sand.u32 @!p1 $0x2000, s16;
	s16 =	sadd.s32 @!p1 s6, s17;
	s14 =	sshll.u32 @!p1 s14, $0x4  }
0x25: {  	s17 =	simm.s32 @!p1 $0x6400;
	s14 =	sadd.s32 @!p1 s14, s16;
	s16 =	simm.s32 @!p1 $0x40  }
0x26: {  	[tilespmem:s15], [sflag:$0x1] =	stream.strided.gather @!p1 [hbm4b:s14+s16], $0x2000, s17, s16, $0x38;
	[tilespmem:$0x8080] =	vst v63  }
0x27: {  	p1 =	sge.u32 s31, s5  }
.Ltmp2:
0x28: {  	_ = 	snop;
	(pc) =	sbr.rel @p1 .LBB1_5-.Ltmp2, $1  }
0x29: {  	_ =	sdelay $0x3  }
0x2a: {  	s14 =	simm.s32 $0x1  }
0x2b: {  	_ =	swait.ge [sflag:s4], $0x2000;
	s14 =	simm.s32 @!p0 $0x0  }
0x2c: {  	[sflag:s4] =	ssyncset.done $0x0;
	s15 =	sshll.u32 s14, $0xD  }
0x2d: {  	[sflag:s4] =	ssyncadd.s32 $0xFFFFE000;
	s18 =	sor.u32 $0x20, s15  }
0x2e: {  	s14 =	smul.u32 $0x8100, s14;
	v3 =	vld [tilespmem:s18+$0x10]  }
0x2f: {  	s30 =	sand.u32 $0x1, s11;
	v2 =	vld [tilespmem:s18+$0xFFFFFFF0]  }
0x30: {  	s15 =	smul.u32 $0x8100, s30;
	s14 =	sshrl.u32 s14, $0x2;
	v0 =	vld [tilespmem:s18+$0x0]  }
0x31: {  	v1 =	vld [tilespmem:s18+$0xFFFFFFE0];
	s16 =	sor.u32 $0x4000, s14  }
0x32: {  	s31 =	sshrl.u32 s15, $0x2;
	s15 =	sadd.s32 $0x0, s16  }
0x33: {  	s17 =	simm.s32 $0x4;
	s18 =	sadd.s32 $0x40, s18;
	s14 =	sor.u32 $0x4000, s31;
	[tilespmem:s15+$0x1830 ss:$0x81] =	vst.msk $0xffff, v3  }
.LBB1_3:
0x34: {  	v3 =	vld [tilespmem:s18+$0x10];
	p1 =	sne.s32 s17, $0x1FC;
	[tilespmem:s15+$0x810 ss:$0x81] =	vst.msk $0xffff, v2;
	s19 =	smov.u32 s17;
	s17 =	sadd.s32 $0x4, s17  }
.Ltmp3:
0x35: {  	v2 =	vld [tilespmem:s18+$0xFFFFFFF0];
	[tilespmem:s15+$0x1020 ss:$0x81] =	vst.msk $0xffff, v0;
	(pc) =	sbr.rel @p1 .LBB1_3-.Ltmp3, $4  }
0x36: {  	v0 =	vld [tilespmem:s18+$0x0];
	[tilespmem:s15+$0x0 ss:$0x81] =	vst.msk $0xffff, v1  }
0x37: {  	s15 =	sshra.s32 s19, $0x2;
	v1 =	vld [tilespmem:s18+$0xFFFFFFE0]  }
0x38: {  	s15 =	sadd.s32 s15, s16  }
0x39: {  	s18 =	sadd.s32 $0x40, s18;
	[tilespmem:s15+$0x1830 ss:$0x81] =	vst.msk $0xffff, v3  }
.Ltmp4:
0x3a: {  	_ = 	snop;
	(pc) =	sbr.rel .LBB1_4-.Ltmp4, $1  }
0x3b: {  	_ =	sdelay $0x3  }
.LBB1_6:
0x3c: {  	_ =	sfence.sel $0x180000  }
0x3d: {  	s2 =	simm.s32 $0x1;
	[bflag:$0x0] =	sbarrier.arrive $0xFFFF  }
0x3e: {  	s31 =	simm.s32 $0x2;
	[sflag:s2] =	ssyncpa.u1 $0x1  }
0x3f: {  	[sflag:s31] =	ssyncpa.u1 $0x1  }
0x40: {  	p0 =	sne.s32 s0, $0x0;
	_ =	strace $0x9000004A  }
0x41: {  	s0 =	sadd.s32 @!p0 $0x100000, s1;
	[bflag:$0x2] =	sbarrier.arrive $0xFFFF  }
0x42: {  	[sflag:s0] =	ssyncadd.tile.s32 @!p0 $0x1;
	_ =	shalt  }
.Lfunc_end1:
_tile_overlayer_lowered:
.L_overlay_start_2:
0x43: {  	(tag) =	ssettag $0x2  }
0x44: {  	s0 =	rddreg [dreg:$0x0];
	s2 =	stileid.u32  }
0x45: {  	s1 =	rddreg [dreg:$0x1];
	p0 =	sne.s32 s2, $0x0  }
0x46: {  	s3 =	rddreg [dreg:$0x2];
	[bflag:$0x3] =	sbarrier.arrive $0xFFFF;
	s2 =	simm.s32 @!p0 $0x1C01  }
0x47: {  	[timem:s3], [sflag:s2] =	dma.local @!p0 [hbm:s0], s1  }
0x48: {  	s0 =	simm.s32 @!p0 $0x1  }
0x49: {  	_ =	swait.ge @!p0 [sflag:s0], s1  }
0x4a: {  	s1 =	ssub.s32 @!p0 $0x0, s1;
	[sflag:s0] =	ssyncset.done @!p0 $0x0  }
0x4b: {  	[sflag:s0] =	ssyncadd.s32 @!p0 s1  }
0x4c: {  	[bflag:$0x3] =	sbarrier.arrive $0xFFFF  }
0x4d: {  	_ =	shalt  }

</sc_bundles>
